<compile_context>
chip_gen: v7x
topology: tpu7x:2x2x1
jax: 0.10.2.dev20260603
libtpu: 0.0.44.dev20260713+nightly
codegen_flags: <defaults>
</compile_context>

<pallas_src>
import functools

import jax
import jax.numpy as jnp
import numpy as np
from jax import lax
from jax.experimental import pallas as pl
from jax.experimental.pallas import tpu as pltpu
from jax.experimental.pallas import tpu_sc as plsc

KNN = 32
DELTA = 1e-3
GSZ = 64
NCAND = 40
KBLK = 1024
BIGF = np.float32(3.0e38)
PADF = np.float32(1.0e30)
BIGI = np.int32(2147483647)


def _k1_body(nkeys, q_ref, k_ref, e_ref, m_ref):
    i = pl.program_id(0)
    q = q_ref[...]
    k = k_ref[...]
    Q = q.shape[0]
    gpb = KBLK // GSZ
    ones = jnp.ones((8, q.shape[1]), jnp.float32)

    acc = lax.dot_general(q, k, (((1,), (1,)), ((), ())),
                          preferred_element_type=jnp.float32)
    ksq_l = lax.dot_general(ones, k * k, (((1,), (1,)), ((), ())),
                            preferred_element_type=jnp.float32,
                            precision=lax.Precision.HIGHEST)[0:1]
    col = i * KBLK + lax.broadcasted_iota(jnp.int32, (1, KBLK), 1)
    pen_l = jnp.where(col >= nkeys, PADF, jnp.float32(0.0))
    e_ref[...] = (ksq_l + pen_l) - 2.0 * acc

    acc_t = lax.dot_general(k, q, (((1,), (1,)), ((), ())),
                            preferred_element_type=jnp.float32)
    ksq_s = jnp.sum(k * k, axis=1, keepdims=True)
    row = i * KBLK + lax.broadcasted_iota(jnp.int32, (KBLK, 1), 0)
    pen_s = jnp.where(row >= nkeys, PADF, jnp.float32(0.0))
    e_t = (ksq_s + pen_s) - 2.0 * acc_t
    m_ref[...] = jnp.min(e_t.reshape(gpb, GSZ, Q), axis=1)


def _k1_call(q, keys_p, nkeys):
    Q, D = q.shape
    npad = keys_p.shape[0]
    nblk = npad // KBLK
    gpb = KBLK // GSZ
    return pl.pallas_call(
        functools.partial(_k1_body, nkeys),
        grid=(nblk,),
        in_specs=[
            pl.BlockSpec((Q, D), lambda i: (0, 0)),
            pl.BlockSpec((KBLK, D), lambda i: (i, 0)),
        ],
        out_specs=[
            pl.BlockSpec((Q, KBLK), lambda i: (0, i)),
            pl.BlockSpec((gpb, Q), lambda i: (i, 0)),
        ],
        out_shape=[
            jax.ShapeDtypeStruct((Q, npad), jnp.float32),
            jax.ShapeDtypeStruct((npad // GSZ, Q), jnp.float32),
        ],
    )(q, keys_p)


def _k2_body(m_ref, rowt_ref, mv_ref):
    ng, Q = m_ref.shape
    mv_ref[...] = m_ref[...]
    rowt_ref[...] = jnp.zeros((NCAND, Q), jnp.int32)

    def body(j, _):
        mv = mv_ref[...]
        iog = lax.broadcasted_iota(jnp.int32, (ng, Q), 0)
        v = jnp.min(mv, axis=0)
        p = jnp.min(jnp.where(mv == v[None, :], iog, BIGI), axis=0)
        ioj = lax.broadcasted_iota(jnp.int32, (NCAND, Q), 0)
        qio = lax.broadcasted_iota(jnp.int32, (NCAND, Q), 1)
        rowt_ref[...] = jnp.where(ioj == j, qio * ng + p[None, :],
                                  rowt_ref[...])
        mv_ref[...] = jnp.where(iog == p[None, :], BIGF, mv)
        return 0

    lax.fori_loop(0, NCAND, body, 0)


def _k2_call(mt):
    ng, Q = mt.shape
    return pl.pallas_call(
        _k2_body,
        out_shape=jax.ShapeDtypeStruct((NCAND, Q), jnp.int32),
        scratch_shapes=[pltpu.VMEM((ng, Q), jnp.float32)],
    )(mt)


def _k3_gather(d2rows, rowidx_flat):
    nrows_out = rowidx_flat.shape[0]
    info = plsc.get_sparse_core_info()
    nw = info.num_cores * info.num_subcores
    b_per_w = nrows_out // nw
    chunk = 128
    nchunk = b_per_w // chunk
    mesh = plsc.VectorSubcoreMesh(core_axis_name="c", subcore_axis_name="s")

    @functools.partial(
        pl.kernel, mesh=mesh,
        out_type=jax.ShapeDtypeStruct((nrows_out, GSZ), jnp.float32),
        compiler_params=pltpu.CompilerParams(use_tc_tiling_on_sc=False),
        scratch_types=[
            pltpu.VMEM((b_per_w,), jnp.int32),
            pltpu.VMEM((b_per_w, GSZ), jnp.float32),
            pltpu.SemaphoreType.DMA,
        ],
    )
    def k(tab_hbm, idx_hbm, out_hbm, idx_v, rows_v, sem):
        wid = lax.axis_index("s") * info.num_cores + lax.axis_index("c")
        pltpu.sync_copy(idx_hbm.at[pl.ds(wid * b_per_w, b_per_w)], idx_v)
        copies = []
        for c in range(nchunk):
            copies.append(pltpu.async_copy(
                tab_hbm.at[idx_v.at[pl.ds(c * chunk, chunk)]],
                rows_v.at[pl.ds(c * chunk, chunk)], sem))
        for cp in copies:
            cp.wait()
        pltpu.sync_copy(rows_v, out_hbm.at[pl.ds(wid * b_per_w, b_per_w)])

    return k(d2rows, rowidx_flat)


def _k4_body(ng, cand_ref, rowidx_ref, q_ref, d_ref, r_ref, l_ref,
             c_ref, p_ref):
    Q, W = cand_ref.shape
    c_ref[...] = cand_ref[...]
    d_ref[...] = jnp.zeros((Q, KNN), jnp.float32)
    p_ref[...] = jnp.zeros((Q, KNN), jnp.int32)

    def body(j, _):
        c = c_ref[...]
        io = lax.broadcasted_iota(jnp.int32, (Q, W), 1)
        v = jnp.min(c, axis=1)
        p = jnp.min(jnp.where(c == v[:, None], io, BIGI), axis=1)
        sel = io == p[:, None]
        ioj = lax.broadcasted_iota(jnp.int32, (Q, KNN), 1)
        d_ref[...] = jnp.where(ioj == j, v[:, None], d_ref[...])
        p_ref[...] = jnp.where(ioj == j, p[:, None], p_ref[...])
        c_ref[...] = jnp.where(sel, BIGF, c)
        return 0

    lax.fori_loop(0, KNN, body, 0)

    qv = q_ref[...]
    qsq = jnp.sum(qv * qv, axis=1, keepdims=True)
    g_tab = (rowidx_ref[...]
             - lax.broadcasted_iota(jnp.int32, (Q, NCAND), 0) * ng)
    pacc = p_ref[...]
    j2 = pacc >> 6
    off = pacc & 63
    gsel = jnp.zeros((Q, KNN), jnp.int32)
    for s in range(NCAND):
        gsel = jnp.where(j2 == s, g_tab[:, s:s + 1], gsel)
    gkey = gsel * GSZ + off
    d_ref[...] = d_ref[...] + qsq
    r_ref[...] = gkey >> 4
    l_ref[...] = gkey & 15


def _k4_call(cand, rowidx, q, ng):
    Q = cand.shape[0]
    W = cand.shape[1]
    return pl.pallas_call(
        functools.partial(_k4_body, ng),
        out_shape=[
            jax.ShapeDtypeStruct((Q, KNN), jnp.float32),
            jax.ShapeDtypeStruct((Q, KNN), jnp.int32),
            jax.ShapeDtypeStruct((Q, KNN), jnp.int32),
        ],
        scratch_shapes=[
            pltpu.VMEM((Q, W), jnp.float32),
            pltpu.VMEM((Q, KNN), jnp.int32),
        ],
    )(cand, rowidx, q)


def _k5_gather(v16, rsel_flat):
    nb = rsel_flat.shape[0]
    L = v16.shape[1]
    info = plsc.get_sparse_core_info()
    nw = info.num_cores * info.num_subcores
    b_per_w = nb // nw
    chunk = 128
    nchunk = b_per_w // chunk
    mesh = plsc.VectorSubcoreMesh(core_axis_name="c", subcore_axis_name="s")

    @functools.partial(
        pl.kernel, mesh=mesh,
        out_type=jax.ShapeDtypeStruct((nb, L), jnp.float32),
        compiler_params=pltpu.CompilerParams(use_tc_tiling_on_sc=False),
        scratch_types=[
            pltpu.VMEM((b_per_w,), jnp.int32),
            pltpu.VMEM((b_per_w, L), jnp.float32),
            pltpu.SemaphoreType.DMA,
        ],
    )
    def k(tab_hbm, idx_hbm, out_hbm, idx_v, rows_v, sem):
        wid = lax.axis_index("s") * info.num_cores + lax.axis_index("c")
        base = wid * b_per_w
        pltpu.sync_copy(idx_hbm.at[pl.ds(base, b_per_w)], idx_v)
        copies = []
        for c in range(nchunk):
            copies.append(pltpu.async_copy(
                tab_hbm.at[idx_v.at[pl.ds(c * chunk, chunk)]],
                rows_v.at[pl.ds(c * chunk, chunk)], sem))
        for cp in copies:
            cp.wait()
        pltpu.sync_copy(rows_v, out_hbm.at[pl.ds(base, b_per_w)])

    return k(v16, rsel_flat)


def _k6_body(d_ref, rows_ref, loff_ref, o_ref):
    Q = d_ref.shape[0]
    d = d_ref[...]
    rows = rows_ref[...]
    loff = loff_ref[...]
    io16 = lax.broadcasted_iota(jnp.int32, (Q, 16), 1)
    cols = []
    for j in range(KNN):
        blk = rows[:, j * 16:(j + 1) * 16]
        onehot = io16 == loff[:, j:j + 1]
        cols.append(jnp.sum(jnp.where(onehot, blk, jnp.float32(0.0)),
                            axis=1, keepdims=True))
    v = jnp.concatenate(cols, axis=1)
    w = 1.0 / (d + jnp.float32(DELTA))
    w = w / jnp.sum(w, axis=1, keepdims=True)
    out_nm = jnp.sum(w * v, axis=1, keepdims=True)
    match = d[:, 0:1] == 0.0
    o_ref[...] = jnp.where(match, v[:, 0:1], out_nm)


def _k6_call(dists, rows, loff):
    Q = dists.shape[0]
    return pl.pallas_call(
        _k6_body,
        out_shape=jax.ShapeDtypeStruct((Q, 1), jnp.float32),
    )(dists, rows, loff)


def kernel(key, keys, values):
    Q, D = key.shape
    nkeys = keys.shape[0]
    npad = ((nkeys + KBLK - 1) // KBLK) * KBLK
    keys_p = jnp.pad(keys, ((0, npad - nkeys), (0, 0)))
    ng = npad // GSZ

    e, mt = _k1_call(key, keys_p, nkeys)
    rowt = _k2_call(mt)
    rowidx = rowt.T
    cand = _k3_gather(e.reshape(Q * ng, GSZ), rowidx.reshape(-1))
    dists, rsel, loff = _k4_call(cand.reshape(Q, NCAND * GSZ), rowidx,
                                 key, ng)
    rows = _k5_gather(values.reshape(-1, 16), rsel.reshape(-1))
    return _k6_call(dists, rows.reshape(Q, KNN * 16), loff)

# --- scband reference (transcript-rebuilt; emitter-appended) ---
"""Pipeline reference for scband-static-dictionary-79998060855635 (READ-ONLY COPY).

The authoritative reference and input builder live on the scoring server;
editing this copy changes nothing except your own understanding.
"""

import jax, jax.numpy as jnp
import numpy as np

NUM_NEIGHBOURS = 32
KERNEL_DELTA = 1e-3
DICT_CAPACITY = 100000
KEY_SIZE = 128
BATCH = 1024


def setup_inputs(seed: int = 0) -> dict:
    key = jax.random.key(seed)
    k1, k2, k3 = jax.random.split(key, 3)
    q = jax.random.normal(k1, (BATCH, KEY_SIZE), dtype=jnp.float32)
    keys = jax.random.normal(k2, (DICT_CAPACITY, KEY_SIZE), dtype=jnp.float32)
    values = jax.random.normal(k3, (DICT_CAPACITY, 1), dtype=jnp.float32)
    return {"key": q, "keys": keys, "values": values}


def reference(key, keys, values):
    # brute-force L2^2 kNN (faiss.knn_L2sqr equivalent)
    q_sq = jnp.sum(key * key, axis=1, keepdims=True)            # [Q, 1]
    k_sq = jnp.sum(keys * keys, axis=1)                          # [K]
    d2 = q_sq + k_sq[None, :] - 2.0 * (key @ keys.T)             # [Q, K]
    neg_dists, idxs = jax.lax.top_k(-d2, NUM_NEIGHBOURS)         # smallest dists
    dists = -neg_dists                                           # [Q, k]
    # return_neighbours=True gather (computed in original forward)
    neighbours = keys[idxs.reshape(-1)].reshape(-1, NUM_NEIGHBOURS, keys.shape[1])
    # gather neighbour values
    vals = values[idxs.reshape(-1)].reshape(-1, NUM_NEIGHBOURS, 1)  # [Q, k, 1]
    # _mean_IDW_kernel
    weights = 1.0 / (dists + KERNEL_DELTA)                        # [Q, k]
    weights = weights / jnp.sum(weights, axis=1, keepdims=True)
    out_non_match = jnp.sum(weights[:, :, None] * vals, axis=1)   # [Q, 1]
    out_match = values[idxs[:, 0]]                                # [Q, 1]
    match = (dists[:, 0] == 0.0)[:, None]
    output = jnp.where(match, out_match, out_non_match)
    return output

if __name__ == "__main__":
    import jax
    _d = setup_inputs()
    print(jax.jit(kernel)(*tuple(_d.values())))

</pallas_src>

<mosaic_0001>
#map = affine_map<(d0, d1) -> (0, 0)>
#map1 = affine_map<(d0, d1) -> (0)>
module attributes {stable_mosaic.version = 14 : i64} {
  func.func @k(%arg0: i32, %arg1: i32, %arg2: memref<6250x16xf32, #tpu.memory_space<hbm>>, %arg3: memref<32768xi32, #tpu.memory_space<hbm>>, %arg4: memref<32768x16xf32, #tpu.memory_space<hbm>>, %arg5: memref<1024xi32, #tpu.memory_space<vmem>>, %arg6: memref<1024x16xf32, #tpu.memory_space<vmem>>, %arg7: memref<!tpu.dma_semaphore, #tpu.memory_space<semaphore_mem>>) attributes {dimension_semantics = [#tpu.dimension_semantics<core_parallel>, #tpu.dimension_semantics<subcore_parallel>], iteration_bounds = array<i64: 2, 16>, scalar_prefetch = 0 : i64, scratch_operands = 3 : i64, tpu.core_type = #tpu.core_type<sc_vector_subcore>, window_params = [{transform_indices = #map}, {transform_indices = #map1}, {transform_indices = #map}]} {
    %mul3A = arith.constant 2 : i32
    %mul3A_0 = arith.muli %arg1, %mul3A : i32
    %add3A = arith.addi %mul3A_0, %arg0 : i32
    %mul3A_1 = arith.constant 1024 : i32
    %mul3A_2 = arith.muli %add3A, %mul3A_1 : i32
    "tpu.region"() ({
      %run_scoped3A = tpu.sem_alloc : memref<!tpu.dma_semaphore, #tpu.memory_space<semaphore_mem>>
      %dma_start3A_129 = tpu.memref_slice %arg3[%mul3A_2] : memref<32768xi32, #tpu.memory_space<hbm>> -> memref<1024xi32, #tpu.memory_space<hbm>>
      %dma_start3A_130 = tpu.memref_slice %arg3[%mul3A_2] : memref<32768xi32, #tpu.memory_space<hbm>> -> memref<1024xi32, #tpu.memory_space<hbm>>
      tpu.enqueue_dma source(%dma_start3A_130 : memref<1024xi32, #tpu.memory_space<hbm>>) target(%arg5 : memref<1024xi32, #tpu.memory_space<vmem>>) target_semaphore(%run_scoped3A : memref<!tpu.dma_semaphore, #tpu.memory_space<semaphore_mem>>)
      %dma_wait3A_131 = tpu.memref_slice %arg3[%mul3A_2] : memref<32768xi32, #tpu.memory_space<hbm>> -> memref<1024xi32, #tpu.memory_space<hbm>>
      %dma_wait3A_132 = tpu.memref_slice %arg3[%mul3A_2] : memref<32768xi32, #tpu.memory_space<hbm>> -> memref<1024xi32, #tpu.memory_space<hbm>>
      tpu.wait_dma2 semaphore(%run_scoped3A : memref<!tpu.dma_semaphore, #tpu.memory_space<semaphore_mem>>) src(%dma_wait3A_132 : memref<1024xi32, #tpu.memory_space<hbm>>) dst(%arg5 : memref<1024xi32, #tpu.memory_space<vmem>>)
      tpu.yield
    }) : () -> ()
    %dma_start3A = arith.constant 0 : i32
    %dma_start3A_3 = arith.constant 0 : i32
    %dma_start3A_4 = tpu.memref_slice %arg6[%dma_start3A, %dma_start3A_3] : memref<1024x16xf32, #tpu.memory_space<vmem>> -> memref<128x16xf32, #tpu.memory_space<vmem>>
    %dma_start3A_5 = arith.constant 0 : i32
    %dma_start3A_6 = tpu.memref_slice %arg5[%dma_start3A_5] : memref<1024xi32, #tpu.memory_space<vmem>> -> memref<128xi32, #tpu.memory_space<vmem>>
    %dma_start3A_7 = arith.constant 0 : i32
    %dma_start3A_8 = arith.constant 0 : i32
    %dma_start3A_9 = tpu.memref_slice %arg2[%dma_start3A_7, %dma_start3A_8] : memref<6250x16xf32, #tpu.memory_space<hbm>> -> memref<6250x16xf32, #tpu.memory_space<hbm>>
    tpu.enqueue_indirect_dma source(%dma_start3A_9 : memref<6250x16xf32, #tpu.memory_space<hbm>>) target(%dma_start3A_4 : memref<128x16xf32, #tpu.memory_space<vmem>>) offsets(%dma_start3A_6 : memref<128xi32, #tpu.memory_space<vmem>>) semaphore(%arg7 : memref<!tpu.dma_semaphore, #tpu.memory_space<semaphore_mem>>)
    %dma_start3A_10 = arith.constant 128 : i32
    %dma_start3A_11 = arith.constant 0 : i32
    %dma_start3A_12 = tpu.memref_slice %arg6[%dma_start3A_10, %dma_start3A_11] : memref<1024x16xf32, #tpu.memory_space<vmem>> -> memref<128x16xf32, #tpu.memory_space<vmem>>
    %dma_start3A_13 = arith.constant 128 : i32
    %dma_start3A_14 = tpu.memref_slice %arg5[%dma_start3A_13] : memref<1024xi32, #tpu.memory_space<vmem>> -> memref<128xi32, #tpu.memory_space<vmem>>
    %dma_start3A_15 = arith.constant 0 : i32
    %dma_start3A_16 = arith.constant 0 : i32
    %dma_start3A_17 = tpu.memref_slice %arg2[%dma_start3A_15, %dma_start3A_16] : memref<6250x16xf32, #tpu.memory_space<hbm>> -> memref<6250x16xf32, #tpu.memory_space<hbm>>
    tpu.enqueue_indirect_dma source(%dma_start3A_17 : memref<6250x16xf32, #tpu.memory_space<hbm>>) target(%dma_start3A_12 : memref<128x16xf32, #tpu.memory_space<vmem>>) offsets(%dma_start3A_14 : memref<128xi32, #tpu.memory_space<vmem>>) semaphore(%arg7 : memref<!tpu.dma_semaphore, #tpu.memory_space<semaphore_mem>>)
    %dma_start3A_18 = arith.constant 256 : i32
    %dma_start3A_19 = arith.constant 0 : i32
    %dma_start3A_20 = tpu.memref_slice %arg6[%dma_start3A_18, %dma_start3A_19] : memref<1024x16xf32, #tpu.memory_space<vmem>> -> memref<128x16xf32, #tpu.memory_space<vmem>>
    %dma_start3A_21 = arith.constant 256 : i32
    %dma_start3A_22 = tpu.memref_slice %arg5[%dma_start3A_21] : memref<1024xi32, #tpu.memory_space<vmem>> -> memref<128xi32, #tpu.memory_space<vmem>>
    %dma_start3A_23 = arith.constant 0 : i32
    %dma_start3A_24 = arith.constant 0 : i32
    %dma_start3A_25 = tpu.memref_slice %arg2[%dma_start3A_23, %dma_start3A_24] : memref<6250x16xf32, #tpu.memory_space<hbm>> -> memref<6250x16xf32, #tpu.memory_space<hbm>>
    tpu.enqueue_indirect_dma source(%dma_start3A_25 : memref<6250x16xf32, #tpu.memory_space<hbm>>) target(%dma_start3A_20 : memref<128x16xf32, #tpu.memory_space<vmem>>) offsets(%dma_start3A_22 : memref<128xi32, #tpu.memory_space<vmem>>) semaphore(%arg7 : memref<!tpu.dma_semaphore, #tpu.memory_space<semaphore_mem>>)
    %dma_start3A_26 = arith.constant 384 : i32
    %dma_start3A_27 = arith.constant 0 : i32
    %dma_start3A_28 = tpu.memref_slice %arg6[%dma_start3A_26, %dma_start3A_27] : memref<1024x16xf32, #tpu.memory_space<vmem>> -> memref<128x16xf32, #tpu.memory_space<vmem>>
    %dma_start3A_29 = arith.constant 384 : i32
    %dma_start3A_30 = tpu.memref_slice %arg5[%dma_start3A_29] : memref<1024xi32, #tpu.memory_space<vmem>> -> memref<128xi32, #tpu.memory_space<vmem>>
    %dma_start3A_31 = arith.constant 0 : i32
    %dma_start3A_32 = arith.constant 0 : i32
    %dma_start3A_33 = tpu.memref_slice %arg2[%dma_start3A_31, %dma_start3A_32] : memref<6250x16xf32, #tpu.memory_space<hbm>> -> memref<6250x16xf32, #tpu.memory_space<hbm>>
    tpu.enqueue_indirect_dma source(%dma_start3A_33 : memref<6250x16xf32, #tpu.memory_space<hbm>>) target(%dma_start3A_28 : memref<128x16xf32, #tpu.memory_space<vmem>>) offsets(%dma_start3A_30 : memref<128xi32, #tpu.memory_space<vmem>>) semaphore(%arg7 : memref<!tpu.dma_semaphore, #tpu.memory_space<semaphore_mem>>)
    %dma_start3A_34 = arith.constant 512 : i32
    %dma_start3A_35 = arith.constant 0 : i32
    %dma_start3A_36 = tpu.memref_slice %arg6[%dma_start3A_34, %dma_start3A_35] : memref<1024x16xf32, #tpu.memory_space<vmem>> -> memref<128x16xf32, #tpu.memory_space<vmem>>
    %dma_start3A_37 = arith.constant 512 : i32
    %dma_start3A_38 = tpu.memref_slice %arg5[%dma_start3A_37] : memref<1024xi32, #tpu.memory_space<vmem>> -> memref<128xi32, #tpu.memory_space<vmem>>
    %dma_start3A_39 = arith.constant 0 : i32
    %dma_start3A_40 = arith.constant 0 : i32
    %dma_start3A_41 = tpu.memref_slice %arg2[%dma_start3A_39, %dma_start3A_40] : memref<6250x16xf32, #tpu.memory_space<hbm>> -> memref<6250x16xf32, #tpu.memory_space<hbm>>
    tpu.enqueue_indirect_dma source(%dma_start3A_41 : memref<6250x16xf32, #tpu.memory_space<hbm>>) target(%dma_start3A_36 : memref<128x16xf32, #tpu.memory_space<vmem>>) offsets(%dma_start3A_38 : memref<128xi32, #tpu.memory_space<vmem>>) semaphore(%arg7 : memref<!tpu.dma_semaphore, #tpu.memory_space<semaphore_mem>>)
    %dma_start3A_42 = arith.constant 640 : i32
    %dma_start3A_43 = arith.constant 0 : i32
    %dma_start3A_44 = tpu.memref_slice %arg6[%dma_start3A_42, %dma_start3A_43] : memref<1024x16xf32, #tpu.memory_space<vmem>> -> memref<128x16xf32, #tpu.memory_space<vmem>>
    %dma_start3A_45 = arith.constant 640 : i32
    %dma_start3A_46 = tpu.memref_slice %arg5[%dma_start3A_45] : memref<1024xi32, #tpu.memory_space<vmem>> -> memref<128xi32, #tpu.memory_space<vmem>>
    %dma_start3A_47 = arith.constant 0 : i32
    %dma_start3A_48 = arith.constant 0 : i32
    %dma_start3A_49 = tpu.memref_slice %arg2[%dma_start3A_47, %dma_start3A_48] : memref<6250x16xf32, #tpu.memory_space<hbm>> -> memref<6250x16xf32, #tpu.memory_space<hbm>>
    tpu.enqueue_indirect_dma source(%dma_start3A_49 : memref<6250x16xf32, #tpu.memory_space<hbm>>) target(%dma_start3A_44 : memref<128x16xf32, #tpu.memory_space<vmem>>) offsets(%dma_start3A_46 : memref<128xi32, #tpu.memory_space<vmem>>) semaphore(%arg7 : memref<!tpu.dma_semaphore, #tpu.memory_space<semaphore_mem>>)
    %dma_start3A_50 = arith.constant 768 : i32
    %dma_start3A_51 = arith.constant 0 : i32
    %dma_start3A_52 = tpu.memref_slice %arg6[%dma_start3A_50, %dma_start3A_51] : memref<1024x16xf32, #tpu.memory_space<vmem>> -> memref<128x16xf32, #tpu.memory_space<vmem>>
    %dma_start3A_53 = arith.constant 768 : i32
    %dma_start3A_54 = tpu.memref_slice %arg5[%dma_start3A_53] : memref<1024xi32, #tpu.memory_space<vmem>> -> memref<128xi32, #tpu.memory_space<vmem>>
    %dma_start3A_55 = arith.constant 0 : i32
    %dma_start3A_56 = arith.constant 0 : i32
    %dma_start3A_57 = tpu.memref_slice %arg2[%dma_start3A_55, %dma_start3A_56] : memref<6250x16xf32, #tpu.memory_space<hbm>> -> memref<6250x16xf32, #tpu.memory_space<hbm>>
    tpu.enqueue_indirect_dma source(%dma_start3A_57 : memref<6250x16xf32, #tpu.memory_space<hbm>>) target(%dma_start3A_52 : memref<128x16xf32, #tpu.memory_space<vmem>>) offsets(%dma_start3A_54 : memref<128xi32, #tpu.memory_space<vmem>>) semaphore(%arg7 : memref<!tpu.dma_semaphore, #tpu.memory_space<semaphore_mem>>)
    %dma_start3A_58 = arith.constant 896 : i32
    %dma_start3A_59 = arith.constant 0 : i32
    %dma_start3A_60 = tpu.memref_slice %arg6[%dma_start3A_58, %dma_start3A_59] : memref<1024x16xf32, #tpu.memory_space<vmem>> -> memref<128x16xf32, #tpu.memory_space<vmem>>
    %dma_start3A_61 = arith.constant 896 : i32
    %dma_start3A_62 = tpu.memref_slice %arg5[%dma_start3A_61] : memref<1024xi32, #tpu.memory_space<vmem>> -> memref<128xi32, #tpu.memory_space<vmem>>
    %dma_start3A_63 = arith.constant 0 : i32
    %dma_start3A_64 = arith.constant 0 : i32
    %dma_start3A_65 = tpu.memref_slice %arg2[%dma_start3A_63, %dma_start3A_64] : memref<6250x16xf32, #tpu.memory_space<hbm>> -> memref<6250x16xf32, #tpu.memory_space<hbm>>
    tpu.enqueue_indirect_dma source(%dma_start3A_65 : memref<6250x16xf32, #tpu.memory_space<hbm>>) target(%dma_start3A_60 : memref<128x16xf32, #tpu.memory_space<vmem>>) offsets(%dma_start3A_62 : memref<128xi32, #tpu.memory_space<vmem>>) semaphore(%arg7 : memref<!tpu.dma_semaphore, #tpu.memory_space<semaphore_mem>>)
    %dma_wait3A = arith.constant 0 : i32
    %dma_wait3A_66 = arith.constant 0 : i32
    %dma_wait3A_67 = tpu.memref_slice %arg6[%dma_wait3A, %dma_wait3A_66] : memref<1024x16xf32, #tpu.memory_space<vmem>> -> memref<128x16xf32, #tpu.memory_space<vmem>>
    %dma_wait3A_68 = arith.constant 0 : i32
    %dma_wait3A_69 = tpu.memref_slice %arg5[%dma_wait3A_68] : memref<1024xi32, #tpu.memory_space<vmem>> -> memref<128xi32, #tpu.memory_space<vmem>>
    %dma_wait3A_70 = arith.constant 0 : i32
    %dma_wait3A_71 = arith.constant 0 : i32
    %dma_wait3A_72 = tpu.memref_slice %arg2[%dma_wait3A_70, %dma_wait3A_71] : memref<6250x16xf32, #tpu.memory_space<hbm>> -> memref<6250x16xf32, #tpu.memory_space<hbm>>
    tpu.wait_indirect_dma semaphore(%arg7 : memref<!tpu.dma_semaphore, #tpu.memory_space<semaphore_mem>>) src(%dma_wait3A_72 : memref<6250x16xf32, #tpu.memory_space<hbm>>) dst(%dma_wait3A_67 : memref<128x16xf32, #tpu.memory_space<vmem>>)
    %dma_wait3A_73 = arith.constant 128 : i32
    %dma_wait3A_74 = arith.constant 0 : i32
    %dma_wait3A_75 = tpu.memref_slice %arg6[%dma_wait3A_73, %dma_wait3A_74] : memref<1024x16xf32, #tpu.memory_space<vmem>> -> memref<128x16xf32, #tpu.memory_space<vmem>>
    %dma_wait3A_76 = arith.constant 128 : i32
    %dma_wait3A_77 = tpu.memref_slice %arg5[%dma_wait3A_76] : memref<1024xi32, #tpu.memory_space<vmem>> -> memref<128xi32, #tpu.memory_space<vmem>>
    %dma_wait3A_78 = arith.constant 0 : i32
    %dma_wait3A_79 = arith.constant 0 : i32
    %dma_wait3A_80 = tpu.memref_slice %arg2[%dma_wait3A_78, %dma_wait3A_79] : memref<6250x16xf32, #tpu.memory_space<hbm>> -> memref<6250x16xf32, #tpu.memory_space<hbm>>
    tpu.wait_indirect_dma semaphore(%arg7 : memref<!tpu.dma_semaphore, #tpu.memory_space<semaphore_mem>>) src(%dma_wait3A_80 : memref<6250x16xf32, #tpu.memory_space<hbm>>) dst(%dma_wait3A_75 : memref<128x16xf32, #tpu.memory_space<vmem>>)
    %dma_wait3A_81 = arith.constant 256 : i32
    %dma_wait3A_82 = arith.constant 0 : i32
    %dma_wait3A_83 = tpu.memref_slice %arg6[%dma_wait3A_81, %dma_wait3A_82] : memref<1024x16xf32, #tpu.memory_space<vmem>> -> memref<128x16xf32, #tpu.memory_space<vmem>>
    %dma_wait3A_84 = arith.constant 256 : i32
    %dma_wait3A_85 = tpu.memref_slice %arg5[%dma_wait3A_84] : memref<1024xi32, #tpu.memory_space<vmem>> -> memref<128xi32, #tpu.memory_space<vmem>>
    %dma_wait3A_86 = arith.constant 0 : i32
    %dma_wait3A_87 = arith.constant 0 : i32
    %dma_wait3A_88 = tpu.memref_slice %arg2[%dma_wait3A_86, %dma_wait3A_87] : memref<6250x16xf32, #tpu.memory_space<hbm>> -> memref<6250x16xf32, #tpu.memory_space<hbm>>
    tpu.wait_indirect_dma semaphore(%arg7 : memref<!tpu.dma_semaphore, #tpu.memory_space<semaphore_mem>>) src(%dma_wait3A_88 : memref<6250x16xf32, #tpu.memory_space<hbm>>) dst(%dma_wait3A_83 : memref<128x16xf32, #tpu.memory_space<vmem>>)
    %dma_wait3A_89 = arith.constant 384 : i32
    %dma_wait3A_90 = arith.constant 0 : i32
    %dma_wait3A_91 = tpu.memref_slice %arg6[%dma_wait3A_89, %dma_wait3A_90] : memref<1024x16xf32, #tpu.memory_space<vmem>> -> memref<128x16xf32, #tpu.memory_space<vmem>>
    %dma_wait3A_92 = arith.constant 384 : i32
    %dma_wait3A_93 = tpu.memref_slice %arg5[%dma_wait3A_92] : memref<1024xi32, #tpu.memory_space<vmem>> -> memref<128xi32, #tpu.memory_space<vmem>>
    %dma_wait3A_94 = arith.constant 0 : i32
    %dma_wait3A_95 = arith.constant 0 : i32
    %dma_wait3A_96 = tpu.memref_slice %arg2[%dma_wait3A_94, %dma_wait3A_95] : memref<6250x16xf32, #tpu.memory_space<hbm>> -> memref<6250x16xf32, #tpu.memory_space<hbm>>
    tpu.wait_indirect_dma semaphore(%arg7 : memref<!tpu.dma_semaphore, #tpu.memory_space<semaphore_mem>>) src(%dma_wait3A_96 : memref<6250x16xf32, #tpu.memory_space<hbm>>) dst(%dma_wait3A_91 : memref<128x16xf32, #tpu.memory_space<vmem>>)
    %dma_wait3A_97 = arith.constant 512 : i32
    %dma_wait3A_98 = arith.constant 0 : i32
    %dma_wait3A_99 = tpu.memref_slice %arg6[%dma_wait3A_97, %dma_wait3A_98] : memref<1024x16xf32, #tpu.memory_space<vmem>> -> memref<128x16xf32, #tpu.memory_space<vmem>>
    %dma_wait3A_100 = arith.constant 512 : i32
    %dma_wait3A_101 = tpu.memref_slice %arg5[%dma_wait3A_100] : memref<1024xi32, #tpu.memory_space<vmem>> -> memref<128xi32, #tpu.memory_space<vmem>>
    %dma_wait3A_102 = arith.constant 0 : i32
    %dma_wait3A_103 = arith.constant 0 : i32
    %dma_wait3A_104 = tpu.memref_slice %arg2[%dma_wait3A_102, %dma_wait3A_103] : memref<6250x16xf32, #tpu.memory_space<hbm>> -> memref<6250x16xf32, #tpu.memory_space<hbm>>
    tpu.wait_indirect_dma semaphore(%arg7 : memref<!tpu.dma_semaphore, #tpu.memory_space<semaphore_mem>>) src(%dma_wait3A_104 : memref<6250x16xf32, #tpu.memory_space<hbm>>) dst(%dma_wait3A_99 : memref<128x16xf32, #tpu.memory_space<vmem>>)
    %dma_wait3A_105 = arith.constant 640 : i32
    %dma_wait3A_106 = arith.constant 0 : i32
    %dma_wait3A_107 = tpu.memref_slice %arg6[%dma_wait3A_105, %dma_wait3A_106] : memref<1024x16xf32, #tpu.memory_space<vmem>> -> memref<128x16xf32, #tpu.memory_space<vmem>>
    %dma_wait3A_108 = arith.constant 640 : i32
    %dma_wait3A_109 = tpu.memref_slice %arg5[%dma_wait3A_108] : memref<1024xi32, #tpu.memory_space<vmem>> -> memref<128xi32, #tpu.memory_space<vmem>>
    %dma_wait3A_110 = arith.constant 0 : i32
    %dma_wait3A_111 = arith.constant 0 : i32
    %dma_wait3A_112 = tpu.memref_slice %arg2[%dma_wait3A_110, %dma_wait3A_111] : memref<6250x16xf32, #tpu.memory_space<hbm>> -> memref<6250x16xf32, #tpu.memory_space<hbm>>
    tpu.wait_indirect_dma semaphore(%arg7 : memref<!tpu.dma_semaphore, #tpu.memory_space<semaphore_mem>>) src(%dma_wait3A_112 : memref<6250x16xf32, #tpu.memory_space<hbm>>) dst(%dma_wait3A_107 : memref<128x16xf32, #tpu.memory_space<vmem>>)
    %dma_wait3A_113 = arith.constant 768 : i32
    %dma_wait3A_114 = arith.constant 0 : i32
    %dma_wait3A_115 = tpu.memref_slice %arg6[%dma_wait3A_113, %dma_wait3A_114] : memref<1024x16xf32, #tpu.memory_space<vmem>> -> memref<128x16xf32, #tpu.memory_space<vmem>>
    %dma_wait3A_116 = arith.constant 768 : i32
    %dma_wait3A_117 = tpu.memref_slice %arg5[%dma_wait3A_116] : memref<1024xi32, #tpu.memory_space<vmem>> -> memref<128xi32, #tpu.memory_space<vmem>>
    %dma_wait3A_118 = arith.constant 0 : i32
    %dma_wait3A_119 = arith.constant 0 : i32
    %dma_wait3A_120 = tpu.memref_slice %arg2[%dma_wait3A_118, %dma_wait3A_119] : memref<6250x16xf32, #tpu.memory_space<hbm>> -> memref<6250x16xf32, #tpu.memory_space<hbm>>
    tpu.wait_indirect_dma semaphore(%arg7 : memref<!tpu.dma_semaphore, #tpu.memory_space<semaphore_mem>>) src(%dma_wait3A_120 : memref<6250x16xf32, #tpu.memory_space<hbm>>) dst(%dma_wait3A_115 : memref<128x16xf32, #tpu.memory_space<vmem>>)
    %dma_wait3A_121 = arith.constant 896 : i32
    %dma_wait3A_122 = arith.constant 0 : i32
    %dma_wait3A_123 = tpu.memref_slice %arg6[%dma_wait3A_121, %dma_wait3A_122] : memref<1024x16xf32, #tpu.memory_space<vmem>> -> memref<128x16xf32, #tpu.memory_space<vmem>>
    %dma_wait3A_124 = arith.constant 896 : i32
    %dma_wait3A_125 = tpu.memref_slice %arg5[%dma_wait3A_124] : memref<1024xi32, #tpu.memory_space<vmem>> -> memref<128xi32, #tpu.memory_space<vmem>>
    %dma_wait3A_126 = arith.constant 0 : i32
    %dma_wait3A_127 = arith.constant 0 : i32
    %dma_wait3A_128 = tpu.memref_slice %arg2[%dma_wait3A_126, %dma_wait3A_127] : memref<6250x16xf32, #tpu.memory_space<hbm>> -> memref<6250x16xf32, #tpu.memory_space<hbm>>
    tpu.wait_indirect_dma semaphore(%arg7 : memref<!tpu.dma_semaphore, #tpu.memory_space<semaphore_mem>>) src(%dma_wait3A_128 : memref<6250x16xf32, #tpu.memory_space<hbm>>) dst(%dma_wait3A_123 : memref<128x16xf32, #tpu.memory_space<vmem>>)
    "tpu.region"() ({
      %run_scoped3A = tpu.sem_alloc : memref<!tpu.dma_semaphore, #tpu.memory_space<semaphore_mem>>
      %dma_start3A_129 = arith.constant 0 : i32
      %dma_start3A_130 = tpu.memref_slice %arg4[%mul3A_2, %dma_start3A_129] : memref<32768x16xf32, #tpu.memory_space<hbm>> -> memref<1024x16xf32, #tpu.memory_space<hbm>>
      %dma_start3A_131 = arith.constant 0 : i32
      %dma_start3A_132 = tpu.memref_slice %arg4[%mul3A_2, %dma_start3A_131] : memref<32768x16xf32, #tpu.memory_space<hbm>> -> memref<1024x16xf32, #tpu.memory_space<hbm>>
      tpu.enqueue_dma source(%arg6 : memref<1024x16xf32, #tpu.memory_space<vmem>>) target(%dma_start3A_132 : memref<1024x16xf32, #tpu.memory_space<hbm>>) target_semaphore(%run_scoped3A : memref<!tpu.dma_semaphore, #tpu.memory_space<semaphore_mem>>)
      %dma_wait3A_133 = arith.constant 0 : i32
      %dma_wait3A_134 = tpu.memref_slice %arg4[%mul3A_2, %dma_wait3A_133] : memref<32768x16xf32, #tpu.memory_space<hbm>> -> memref<1024x16xf32, #tpu.memory_space<hbm>>
      %dma_wait3A_135 = arith.constant 0 : i32
      %dma_wait3A_136 = tpu.memref_slice %arg4[%mul3A_2, %dma_wait3A_135] : memref<32768x16xf32, #tpu.memory_space<hbm>> -> memref<1024x16xf32, #tpu.memory_space<hbm>>
      tpu.wait_dma2 semaphore(%run_scoped3A : memref<!tpu.dma_semaphore, #tpu.memory_space<semaphore_mem>>) src(%arg6 : memref<1024x16xf32, #tpu.memory_space<vmem>>) dst(%dma_wait3A_136 : memref<1024x16xf32, #tpu.memory_space<hbm>>)
      tpu.yield
    }) : () -> ()
    return
  }
}

#map = affine_map<(d0, d1) -> (0, 0)>
#map1 = affine_map<(d0, d1) -> (0)>
module attributes {stable_mosaic.version = 14 : i64} {
  func.func @k(%arg0: i32, %arg1: i32, %arg2: memref<1605632x64xf32, #tpu.memory_space<hbm>>, %arg3: memref<40960xi32, #tpu.memory_space<hbm>>, %arg4: memref<40960x64xf32, #tpu.memory_space<hbm>>, %arg5: memref<1280xi32, #tpu.memory_space<vmem>>, %arg6: memref<1280x64xf32, #tpu.memory_space<vmem>>, %arg7: memref<!tpu.dma_semaphore, #tpu.memory_space<semaphore_mem>>) attributes {dimension_semantics = [#tpu.dimension_semantics<core_parallel>, #tpu.dimension_semantics<subcore_parallel>], iteration_bounds = array<i64: 2, 16>, scalar_prefetch = 0 : i64, scratch_operands = 3 : i64, tpu.core_type = #tpu.core_type<sc_vector_subcore>, window_params = [{transform_indices = #map}, {transform_indices = #map1}, {transform_indices = #map}]} {
    %mul3A = arith.constant 2 : i32
    %mul3A_0 = arith.muli %arg1, %mul3A : i32
    %add3A = arith.addi %mul3A_0, %arg0 : i32
    %mul3A_1 = arith.constant 1280 : i32
    %mul3A_2 = arith.muli %add3A, %mul3A_1 : i32
    "tpu.region"() ({
      %run_scoped3A = tpu.sem_alloc : memref<!tpu.dma_semaphore, #tpu.memory_space<semaphore_mem>>
      %dma_start3A_163 = tpu.memref_slice %arg3[%mul3A_2] : memref<40960xi32, #tpu.memory_space<hbm>> -> memref<1280xi32, #tpu.memory_space<hbm>>
      %dma_start3A_164 = tpu.memref_slice %arg3[%mul3A_2] : memref<40960xi32, #tpu.memory_space<hbm>> -> memref<1280xi32, #tpu.memory_space<hbm>>
      tpu.enqueue_dma source(%dma_start3A_164 : memref<1280xi32, #tpu.memory_space<hbm>>) target(%arg5 : memref<1280xi32, #tpu.memory_space<vmem>>) target_semaphore(%run_scoped3A : memref<!tpu.dma_semaphore, #tpu.memory_space<semaphore_mem>>)
      %dma_wait3A_165 = tpu.memref_slice %arg3[%mul3A_2] : memref<40960xi32, #tpu.memory_space<hbm>> -> memref<1280xi32, #tpu.memory_space<hbm>>
      %dma_wait3A_166 = tpu.memref_slice %arg3[%mul3A_2] : memref<40960xi32, #tpu.memory_space<hbm>> -> memref<1280xi32, #tpu.memory_space<hbm>>
      tpu.wait_dma2 semaphore(%run_scoped3A : memref<!tpu.dma_semaphore, #tpu.memory_space<semaphore_mem>>) src(%dma_wait3A_166 : memref<1280xi32, #tpu.memory_space<hbm>>) dst(%arg5 : memref<1280xi32, #tpu.memory_space<vmem>>)
      tpu.yield
    }) : () -> ()
    %dma_start3A = arith.constant 0 : i32
    %dma_start3A_3 = arith.constant 0 : i32
    %dma_start3A_4 = tpu.memref_slice %arg6[%dma_start3A, %dma_start3A_3] : memref<1280x64xf32, #tpu.memory_space<vmem>> -> memref<128x64xf32, #tpu.memory_space<vmem>>
    %dma_start3A_5 = arith.constant 0 : i32
    %dma_start3A_6 = tpu.memref_slice %arg5[%dma_start3A_5] : memref<1280xi32, #tpu.memory_space<vmem>> -> memref<128xi32, #tpu.memory_space<vmem>>
    %dma_start3A_7 = arith.constant 0 : i32
    %dma_start3A_8 = arith.constant 0 : i32
    %dma_start3A_9 = tpu.memref_slice %arg2[%dma_start3A_7, %dma_start3A_8] : memref<1605632x64xf32, #tpu.memory_space<hbm>> -> memref<1605632x64xf32, #tpu.memory_space<hbm>>
    tpu.enqueue_indirect_dma source(%dma_start3A_9 : memref<1605632x64xf32, #tpu.memory_space<hbm>>) target(%dma_start3A_4 : memref<128x64xf32, #tpu.memory_space<vmem>>) offsets(%dma_start3A_6 : memref<128xi32, #tpu.memory_space<vmem>>) semaphore(%arg7 : memref<!tpu.dma_semaphore, #tpu.memory_space<semaphore_mem>>)
    %dma_start3A_10 = arith.constant 128 : i32
    %dma_start3A_11 = arith.constant 0 : i32
    %dma_start3A_12 = tpu.memref_slice %arg6[%dma_start3A_10, %dma_start3A_11] : memref<1280x64xf32, #tpu.memory_space<vmem>> -> memref<128x64xf32, #tpu.memory_space<vmem>>
    %dma_start3A_13 = arith.constant 128 : i32
    %dma_start3A_14 = tpu.memref_slice %arg5[%dma_start3A_13] : memref<1280xi32, #tpu.memory_space<vmem>> -> memref<128xi32, #tpu.memory_space<vmem>>
    %dma_start3A_15 = arith.constant 0 : i32
    %dma_start3A_16 = arith.constant 0 : i32
    %dma_start3A_17 = tpu.memref_slice %arg2[%dma_start3A_15, %dma_start3A_16] : memref<1605632x64xf32, #tpu.memory_space<hbm>> -> memref<1605632x64xf32, #tpu.memory_space<hbm>>
    tpu.enqueue_indirect_dma source(%dma_start3A_17 : memref<1605632x64xf32, #tpu.memory_space<hbm>>) target(%dma_start3A_12 : memref<128x64xf32, #tpu.memory_space<vmem>>) offsets(%dma_start3A_14 : memref<128xi32, #tpu.memory_space<vmem>>) semaphore(%arg7 : memref<!tpu.dma_semaphore, #tpu.memory_space<semaphore_mem>>)
    %dma_start3A_18 = arith.constant 256 : i32
    %dma_start3A_19 = arith.constant 0 : i32
    %dma_start3A_20 = tpu.memref_slice %arg6[%dma_start3A_18, %dma_start3A_19] : memref<1280x64xf32, #tpu.memory_space<vmem>> -> memref<128x64xf32, #tpu.memory_space<vmem>>
    %dma_start3A_21 = arith.constant 256 : i32
    %dma_start3A_22 = tpu.memref_slice %arg5[%dma_start3A_21] : memref<1280xi32, #tpu.memory_space<vmem>> -> memref<128xi32, #tpu.memory_space<vmem>>
    %dma_start3A_23 = arith.constant 0 : i32
    %dma_start3A_24 = arith.constant 0 : i32
    %dma_start3A_25 = tpu.memref_slice %arg2[%dma_start3A_23, %dma_start3A_24] : memref<1605632x64xf32, #tpu.memory_space<hbm>> -> memref<1605632x64xf32, #tpu.memory_space<hbm>>
    tpu.enqueue_indirect_dma source(%dma_start3A_25 : memref<1605632x64xf32, #tpu.memory_space<hbm>>) target(%dma_start3A_20 : memref<128x64xf32, #tpu.memory_space<vmem>>) offsets(%dma_start3A_22 : memref<128xi32, #tpu.memory_space<vmem>>) semaphore(%arg7 : memref<!tpu.dma_semaphore, #tpu.memory_space<semaphore_mem>>)
    %dma_start3A_26 = arith.constant 384 : i32
    %dma_start3A_27 = arith.constant 0 : i32
    %dma_start3A_28 = tpu.memref_slice %arg6[%dma_start3A_26, %dma_start3A_27] : memref<1280x64xf32, #tpu.memory_space<vmem>> -> memref<128x64xf32, #tpu.memory_space<vmem>>
    %dma_start3A_29 = arith.constant 384 : i32
    %dma_start3A_30 = tpu.memref_slice %arg5[%dma_start3A_29] : memref<1280xi32, #tpu.memory_space<vmem>> -> memref<128xi32, #tpu.memory_space<vmem>>
    %dma_start3A_31 = arith.constant 0 : i32
    %dma_start3A_32 = arith.constant 0 : i32
    %dma_start3A_33 = tpu.memref_slice %arg2[%dma_start3A_31, %dma_start3A_32] : memref<1605632x64xf32, #tpu.memory_space<hbm>> -> memref<1605632x64xf32, #tpu.memory_space<hbm>>
    tpu.enqueue_indirect_dma source(%dma_start3A_33 : memref<1605632x64xf32, #tpu.memory_space<hbm>>) target(%dma_start3A_28 : memref<128x64xf32, #tpu.memory_space<vmem>>) offsets(%dma_start3A_30 : memref<128xi32, #tpu.memory_space<vmem>>) semaphore(%arg7 : memref<!tpu.dma_semaphore, #tpu.memory_space<semaphore_mem>>)
    %dma_start3A_34 = arith.constant 512 : i32
    %dma_start3A_35 = arith.constant 0 : i32
    %dma_start3A_36 = tpu.memref_slice %arg6[%dma_start3A_34, %dma_start3A_35] : memref<1280x64xf32, #tpu.memory_space<vmem>> -> memref<128x64xf32, #tpu.memory_space<vmem>>
    %dma_start3A_37 = arith.constant 512 : i32
    %dma_start3A_38 = tpu.memref_slice %arg5[%dma_start3A_37] : memref<1280xi32, #tpu.memory_space<vmem>> -> memref<128xi32, #tpu.memory_space<vmem>>
    %dma_start3A_39 = arith.constant 0 : i32
    %dma_start3A_40 = arith.constant 0 : i32
    %dma_start3A_41 = tpu.memref_slice %arg2[%dma_start3A_39, %dma_start3A_40] : memref<1605632x64xf32, #tpu.memory_space<hbm>> -> memref<1605632x64xf32, #tpu.memory_space<hbm>>
    tpu.enqueue_indirect_dma source(%dma_start3A_41 : memref<1605632x64xf32, #tpu.memory_space<hbm>>) target(%dma_start3A_36 : memref<128x64xf32, #tpu.memory_space<vmem>>) offsets(%dma_start3A_38 : memref<128xi32, #tpu.memory_space<vmem>>) semaphore(%arg7 : memref<!tpu.dma_semaphore, #tpu.memory_space<semaphore_mem>>)
    %dma_start3A_42 = arith.constant 640 : i32
    %dma_start3A_43 = arith.constant 0 : i32
    %dma_start3A_44 = tpu.memref_slice %arg6[%dma_start3A_42, %dma_start3A_43] : memref<1280x64xf32, #tpu.memory_space<vmem>> -> memref<128x64xf32, #tpu.memory_space<vmem>>
    %dma_start3A_45 = arith.constant 640 : i32
    %dma_start3A_46 = tpu.memref_slice %arg5[%dma_start3A_45] : memref<1280xi32, #tpu.memory_space<vmem>> -> memref<128xi32, #tpu.memory_space<vmem>>
    %dma_start3A_47 = arith.constant 0 : i32
    %dma_start3A_48 = arith.constant 0 : i32
    %dma_start3A_49 = tpu.memref_slice %arg2[%dma_start3A_47, %dma_start3A_48] : memref<1605632x64xf32, #tpu.memory_space<hbm>> -> memref<1605632x64xf32, #tpu.memory_space<hbm>>
    tpu.enqueue_indirect_dma source(%dma_start3A_49 : memref<1605632x64xf32, #tpu.memory_space<hbm>>) target(%dma_start3A_44 : memref<128x64xf32, #tpu.memory_space<vmem>>) offsets(%dma_start3A_46 : memref<128xi32, #tpu.memory_space<vmem>>) semaphore(%arg7 : memref<!tpu.dma_semaphore, #tpu.memory_space<semaphore_mem>>)
    %dma_start3A_50 = arith.constant 768 : i32
    %dma_start3A_51 = arith.constant 0 : i32
    %dma_start3A_52 = tpu.memref_slice %arg6[%dma_start3A_50, %dma_start3A_51] : memref<1280x64xf32, #tpu.memory_space<vmem>> -> memref<128x64xf32, #tpu.memory_space<vmem>>
    %dma_start3A_53 = arith.constant 768 : i32
    %dma_start3A_54 = tpu.memref_slice %arg5[%dma_start3A_53] : memref<1280xi32, #tpu.memory_space<vmem>> -> memref<128xi32, #tpu.memory_space<vmem>>
    %dma_start3A_55 = arith.constant 0 : i32
    %dma_start3A_56 = arith.constant 0 : i32
    %dma_start3A_57 = tpu.memref_slice %arg2[%dma_start3A_55, %dma_start3A_56] : memref<1605632x64xf32, #tpu.memory_space<hbm>> -> memref<1605632x64xf32, #tpu.memory_space<hbm>>
    tpu.enqueue_indirect_dma source(%dma_start3A_57 : memref<1605632x64xf32, #tpu.memory_space<hbm>>) target(%dma_start3A_52 : memref<128x64xf32, #tpu.memory_space<vmem>>) offsets(%dma_start3A_54 : memref<128xi32, #tpu.memory_space<vmem>>) semaphore(%arg7 : memref<!tpu.dma_semaphore, #tpu.memory_space<semaphore_mem>>)
    %dma_start3A_58 = arith.constant 896 : i32
    %dma_start3A_59 = arith.constant 0 : i32
    %dma_start3A_60 = tpu.memref_slice %arg6[%dma_start3A_58, %dma_start3A_59] : memref<1280x64xf32, #tpu.memory_space<vmem>> -> memref<128x64xf32, #tpu.memory_space<vmem>>
    %dma_start3A_61 = arith.constant 896 : i32
    %dma_start3A_62 = tpu.memref_slice %arg5[%dma_start3A_61] : memref<1280xi32, #tpu.memory_space<vmem>> -> memref<128xi32, #tpu.memory_space<vmem>>
    %dma_start3A_63 = arith.constant 0 : i32
    %dma_start3A_64 = arith.constant 0 : i32
    %dma_start3A_65 = tpu.memref_slice %arg2[%dma_start3A_63, %dma_start3A_64] : memref<1605632x64xf32, #tpu.memory_space<hbm>> -> memref<1605632x64xf32, #tpu.memory_space<hbm>>
    tpu.enqueue_indirect_dma source(%dma_start3A_65 : memref<1605632x64xf32, #tpu.memory_space<hbm>>) target(%dma_start3A_60 : memref<128x64xf32, #tpu.memory_space<vmem>>) offsets(%dma_start3A_62 : memref<128xi32, #tpu.memory_space<vmem>>) semaphore(%arg7 : memref<!tpu.dma_semaphore, #tpu.memory_space<semaphore_mem>>)
    %dma_start3A_66 = arith.constant 1024 : i32
    %dma_start3A_67 = arith.constant 0 : i32
    %dma_start3A_68 = tpu.memref_slice %arg6[%dma_start3A_66, %dma_start3A_67] : memref<1280x64xf32, #tpu.memory_space<vmem>> -> memref<128x64xf32, #tpu.memory_space<vmem>>
    %dma_start3A_69 = arith.constant 1024 : i32
    %dma_start3A_70 = tpu.memref_slice %arg5[%dma_start3A_69] : memref<1280xi32, #tpu.memory_space<vmem>> -> memref<128xi32, #tpu.memory_space<vmem>>
    %dma_start3A_71 = arith.constant 0 : i32
    %dma_start3A_72 = arith.constant 0 : i32
    %dma_start3A_73 = tpu.memref_slice %arg2[%dma_start3A_71, %dma_start3A_72] : memref<1605632x64xf32, #tpu.memory_space<hbm>> -> memref<1605632x64xf32, #tpu.memory_space<hbm>>
    tpu.enqueue_indirect_dma source(%dma_start3A_73 : memref<1605632x64xf32, #tpu.memory_space<hbm>>) target(%dma_start3A_68 : memref<128x64xf32, #tpu.memory_space<vmem>>) offsets(%dma_start3A_70 : memref<128xi32, #tpu.memory_space<vmem>>) semaphore(%arg7 : memref<!tpu.dma_semaphore, #tpu.memory_space<semaphore_mem>>)
    %dma_start3A_74 = arith.constant 1152 : i32
    %dma_start3A_75 = arith.constant 0 : i32
    %dma_start3A_76 = tpu.memref_slice %arg6[%dma_start3A_74, %dma_start3A_75] : memref<1280x64xf32, #tpu.memory_space<vmem>> -> memref<128x64xf32, #tpu.memory_space<vmem>>
    %dma_start3A_77 = arith.constant 1152 : i32
    %dma_start3A_78 = tpu.memref_slice %arg5[%dma_start3A_77] : memref<1280xi32, #tpu.memory_space<vmem>> -> memref<128xi32, #tpu.memory_space<vmem>>
    %dma_start3A_79 = arith.constant 0 : i32
    %dma_start3A_80 = arith.constant 0 : i32
    %dma_start3A_81 = tpu.memref_slice %arg2[%dma_start3A_79, %dma_start3A_80] : memref<1605632x64xf32, #tpu.memory_space<hbm>> -> memref<1605632x64xf32, #tpu.memory_space<hbm>>
    tpu.enqueue_indirect_dma source(%dma_start3A_81 : memref<1605632x64xf32, #tpu.memory_space<hbm>>) target(%dma_start3A_76 : memref<128x64xf32, #tpu.memory_space<vmem>>) offsets(%dma_start3A_78 : memref<128xi32, #tpu.memory_space<vmem>>) semaphore(%arg7 : memref<!tpu.dma_semaphore, #tpu.memory_space<semaphore_mem>>)
    %dma_wait3A = arith.constant 0 : i32
    %dma_wait3A_82 = arith.constant 0 : i32
    %dma_wait3A_83 = tpu.memref_slice %arg6[%dma_wait3A, %dma_wait3A_82] : memref<1280x64xf32, #tpu.memory_space<vmem>> -> memref<128x64xf32, #tpu.memory_space<vmem>>
    %dma_wait3A_84 = arith.constant 0 : i32
    %dma_wait3A_85 = tpu.memref_slice %arg5[%dma_wait3A_84] : memref<1280xi32, #tpu.memory_space<vmem>> -> memref<128xi32, #tpu.memory_space<vmem>>
    %dma_wait3A_86 = arith.constant 0 : i32
    %dma_wait3A_87 = arith.constant 0 : i32
    %dma_wait3A_88 = tpu.memref_slice %arg2[%dma_wait3A_86, %dma_wait3A_87] : memref<1605632x64xf32, #tpu.memory_space<hbm>> -> memref<1605632x64xf32, #tpu.memory_space<hbm>>
    tpu.wait_indirect_dma semaphore(%arg7 : memref<!tpu.dma_semaphore, #tpu.memory_space<semaphore_mem>>) src(%dma_wait3A_88 : memref<1605632x64xf32, #tpu.memory_space<hbm>>) dst(%dma_wait3A_83 : memref<128x64xf32, #tpu.memory_space<vmem>>)
    %dma_wait3A_89 = arith.constant 128 : i32
    %dma_wait3A_90 = arith.constant 0 : i32
    %dma_wait3A_91 = tpu.memref_slice %arg6[%dma_wait3A_89, %dma_wait3A_90] : memref<1280x64xf32, #tpu.memory_space<vmem>> -> memref<128x64xf32, #tpu.memory_space<vmem>>
    %dma_wait3A_92 = arith.constant 128 : i32
    %dma_wait3A_93 = tpu.memref_slice %arg5[%dma_wait3A_92] : memref<1280xi32, #tpu.memory_space<vmem>> -> memref<128xi32, #tpu.memory_space<vmem>>
    %dma_wait3A_94 = arith.constant 0 : i32
    %dma_wait3A_95 = arith.constant 0 : i32
    %dma_wait3A_96 = tpu.memref_slice %arg2[%dma_wait3A_94, %dma_wait3A_95] : memref<1605632x64xf32, #tpu.memory_space<hbm>> -> memref<1605632x64xf32, #tpu.memory_space<hbm>>
    tpu.wait_indirect_dma semaphore(%arg7 : memref<!tpu.dma_semaphore, #tpu.memory_space<semaphore_mem>>) src(%dma_wait3A_96 : memref<1605632x64xf32, #tpu.memory_space<hbm>>) dst(%dma_wait3A_91 : memref<128x64xf32, #tpu.memory_space<vmem>>)
    %dma_wait3A_97 = arith.constant 256 : i32
    %dma_wait3A_98 = arith.constant 0 : i32
    %dma_wait3A_99 = tpu.memref_slice %arg6[%dma_wait3A_97, %dma_wait3A_98] : memref<1280x64xf32, #tpu.memory_space<vmem>> -> memref<128x64xf32, #tpu.memory_space<vmem>>
    %dma_wait3A_100 = arith.constant 256 : i32
    %dma_wait3A_101 = tpu.memref_slice %arg5[%dma_wait3A_100] : memref<1280xi32, #tpu.memory_space<vmem>> -> memref<128xi32, #tpu.memory_space<vmem>>
    %dma_wait3A_102 = arith.constant 0 : i32
    %dma_wait3A_103 = arith.constant 0 : i32
    %dma_wait3A_104 = tpu.memref_slice %arg2[%dma_wait3A_102, %dma_wait3A_103] : memref<1605632x64xf32, #tpu.memory_space<hbm>> -> memref<1605632x64xf32, #tpu.memory_space<hbm>>
    tpu.wait_indirect_dma semaphore(%arg7 : memref<!tpu.dma_semaphore, #tpu.memory_space<semaphore_mem>>) src(%dma_wait3A_104 : memref<1605632x64xf32, #tpu.memory_space<hbm>>) dst(%dma_wait3A_99 : memref<128x64xf32, #tpu.memory_space<vmem>>)
    %dma_wait3A_105 = arith.constant 384 : i32
    %dma_wait3A_106 = arith.constant 0 : i32
    %dma_wait3A_107 = tpu.memref_slice %arg6[%dma_wait3A_105, %dma_wait3A_106] : memref<1280x64xf32, #tpu.memory_space<vmem>> -> memref<128x64xf32, #tpu.memory_space<vmem>>
    %dma_wait3A_108 = arith.constant 384 : i32
    %dma_wait3A_109 = tpu.memref_slice %arg5[%dma_wait3A_108] : memref<1280xi32, #tpu.memory_space<vmem>> -> memref<128xi32, #tpu.memory_space<vmem>>
    %dma_wait3A_110 = arith.constant 0 : i32
    %dma_wait3A_111 = arith.constant 0 : i32
    %dma_wait3A_112 = tpu.memref_slice %arg2[%dma_wait3A_110, %dma_wait3A_111] : memref<1605632x64xf32, #tpu.memory_space<hbm>> -> memref<1605632x64xf32, #tpu.memory_space<hbm>>
    tpu.wait_indirect_dma semaphore(%arg7 : memref<!tpu.dma_semaphore, #tpu.memory_space<semaphore_mem>>) src(%dma_wait3A_112 : memref<1605632x64xf32, #tpu.memory_space<hbm>>) dst(%dma_wait3A_107 : memref<128x64xf32, #tpu.memory_space<vmem>>)
    %dma_wait3A_113 = arith.constant 512 : i32
    %dma_wait3A_114 = arith.constant 0 : i32
    %dma_wait3A_115 = tpu.memref_slice %arg6[%dma_wait3A_113, %dma_wait3A_114] : memref<1280x64xf32, #tpu.memory_space<vmem>> -> memref<128x64xf32, #tpu.memory_space<vmem>>
    %dma_wait3A_116 = arith.constant 512 : i32
    %dma_wait3A_117 = tpu.memref_slice %arg5[%dma_wait3A_116] : memref<1280xi32, #tpu.memory_space<vmem>> -> memref<128xi32, #tpu.memory_space<vmem>>
    %dma_wait3A_118 = arith.constant 0 : i32
    %dma_wait3A_119 = arith.constant 0 : i32
    %dma_wait3A_120 = tpu.memref_slice %arg2[%dma_wait3A_118, %dma_wait3A_119] : memref<1605632x64xf32, #tpu.memory_space<hbm>> -> memref<1605632x64xf32, #tpu.memory_space<hbm>>
    tpu.wait_indirect_dma semaphore(%arg7 : memref<!tpu.dma_semaphore, #tpu.memory_space<semaphore_mem>>) src(%dma_wait3A_120 : memref<1605632x64xf32, #tpu.memory_space<hbm>>) dst(%dma_wait3A_115 : memref<128x64xf32, #tpu.memory_space<vmem>>)
    %dma_wait3A_121 = arith.constant 640 : i32
    %dma_wait3A_122 = arith.constant 0 : i32
    %dma_wait3A_123 = tpu.memref_slice %arg6[%dma_wait3A_121, %dma_wait3A_122] : memref<1280x64xf32, #tpu.memory_space<vmem>> -> memref<128x64xf32, #tpu.memory_space<vmem>>
    %dma_wait3A_124 = arith.constant 640 : i32
    %dma_wait3A_125 = tpu.memref_slice %arg5[%dma_wait3A_124] : memref<1280xi32, #tpu.memory_space<vmem>> -> memref<128xi32, #tpu.memory_space<vmem>>
    %dma_wait3A_126 = arith.constant 0 : i32
    %dma_wait3A_127 = arith.constant 0 : i32
    %dma_wait3A_128 = tpu.memref_slice %arg2[%dma_wait3A_126, %dma_wait3A_127] : memref<1605632x64xf32, #tpu.memory_space<hbm>> -> memref<1605632x64xf32, #tpu.memory_space<hbm>>
    tpu.wait_indirect_dma semaphore(%arg7 : memref<!tpu.dma_semaphore, #tpu.memory_space<semaphore_mem>>) src(%dma_wait3A_128 : memref<1605632x64xf32, #tpu.memory_space<hbm>>) dst(%dma_wait3A_123 : memref<128x64xf32, #tpu.memory_space<vmem>>)
    %dma_wait3A_129 = arith.constant 768 : i32
    %dma_wait3A_130 = arith.constant 0 : i32
    %dma_wait3A_131 = tpu.memref_slice %arg6[%dma_wait3A_129, %dma_wait3A_130] : memref<1280x64xf32, #tpu.memory_space<vmem>> -> memref<128x64xf32, #tpu.memory_space<vmem>>
    %dma_wait3A_132 = arith.constant 768 : i32
    %dma_wait3A_133 = tpu.memref_slice %arg5[%dma_wait3A_132] : memref<1280xi32, #tpu.memory_space<vmem>> -> memref<128xi32, #tpu.memory_space<vmem>>
    %dma_wait3A_134 = arith.constant 0 : i32
    %dma_wait3A_135 = arith.constant 0 : i32
    %dma_wait3A_136 = tpu.memref_slice %arg2[%dma_wait3A_134, %dma_wait3A_135] : memref<1605632x64xf32, #tpu.memory_space<hbm>> -> memref<1605632x64xf32, #tpu.memory_space<hbm>>
    tpu.wait_indirect_dma semaphore(%arg7 : memref<!tpu.dma_semaphore, #tpu.memory_space<semaphore_mem>>) src(%dma_wait3A_136 : memref<1605632x64xf32, #tpu.memory_space<hbm>>) dst(%dma_wait3A_131 : memref<128x64xf32, #tpu.memory_space<vmem>>)
    %dma_wait3A_137 = arith.constant 896 : i32
    %dma_wait3A_138 = arith.constant 0 : i32
    %dma_wait3A_139 = tpu.memref_slice %arg6[%dma_wait3A_137, %dma_wait3A_138] : memref<1280x64xf32, #tpu.memory_space<vmem>> -> memref<128x64xf32, #tpu.memory_space<vmem>>
    %dma_wait3A_140 = arith.constant 896 : i32
    %dma_wait3A_141 = tpu.memref_slice %arg5[%dma_wait3A_140] : memref<1280xi32, #tpu.memory_space<vmem>> -> memref<128xi32, #tpu.memory_space<vmem>>
    %dma_wait3A_142 = arith.constant 0 : i32
    %dma_wait3A_143 = arith.constant 0 : i32
    %dma_wait3A_144 = tpu.memref_slice %arg2[%dma_wait3A_142, %dma_wait3A_143] : memref<1605632x64xf32, #tpu.memory_space<hbm>> -> memref<1605632x64xf32, #tpu.memory_space<hbm>>
    tpu.wait_indirect_dma semaphore(%arg7 : memref<!tpu.dma_semaphore, #tpu.memory_space<semaphore_mem>>) src(%dma_wait3A_144 : memref<1605632x64xf32, #tpu.memory_space<hbm>>) dst(%dma_wait3A_139 : memref<128x64xf32, #tpu.memory_space<vmem>>)
    %dma_wait3A_145 = arith.constant 1024 : i32
    %dma_wait3A_146 = arith.constant 0 : i32
    %dma_wait3A_147 = tpu.memref_slice %arg6[%dma_wait3A_145, %dma_wait3A_146] : memref<1280x64xf32, #tpu.memory_space<vmem>> -> memref<128x64xf32, #tpu.memory_space<vmem>>
    %dma_wait3A_148 = arith.constant 1024 : i32
    %dma_wait3A_149 = tpu.memref_slice %arg5[%dma_wait3A_148] : memref<1280xi32, #tpu.memory_space<vmem>> -> memref<128xi32, #tpu.memory_space<vmem>>
    %dma_wait3A_150 = arith.constant 0 : i32
    %dma_wait3A_151 = arith.constant 0 : i32
    %dma_wait3A_152 = tpu.memref_slice %arg2[%dma_wait3A_150, %dma_wait3A_151] : memref<1605632x64xf32, #tpu.memory_space<hbm>> -> memref<1605632x64xf32, #tpu.memory_space<hbm>>
    tpu.wait_indirect_dma semaphore(%arg7 : memref<!tpu.dma_semaphore, #tpu.memory_space<semaphore_mem>>) src(%dma_wait3A_152 : memref<1605632x64xf32, #tpu.memory_space<hbm>>) dst(%dma_wait3A_147 : memref<128x64xf32, #tpu.memory_space<vmem>>)
    %dma_wait3A_153 = arith.constant 1152 : i32
    %dma_wait3A_154 = arith.constant 0 : i32
    %dma_wait3A_155 = tpu.memref_slice %arg6[%dma_wait3A_153, %dma_wait3A_154] : memref<1280x64xf32, #tpu.memory_space<vmem>> -> memref<128x64xf32, #tpu.memory_space<vmem>>
    %dma_wait3A_156 = arith.constant 1152 : i32
    %dma_wait3A_157 = tpu.memref_slice %arg5[%dma_wait3A_156] : memref<1280xi32, #tpu.memory_space<vmem>> -> memref<128xi32, #tpu.memory_space<vmem>>
    %dma_wait3A_158 = arith.constant 0 : i32
    %dma_wait3A_159 = arith.constant 0 : i32
    %dma_wait3A_160 = tpu.memref_slice %arg2[%dma_wait3A_158, %dma_wait3A_159] : memref<1605632x64xf32, #tpu.memory_space<hbm>> -> memref<1605632x64xf32, #tpu.memory_space<hbm>>
    tpu.wait_indirect_dma semaphore(%arg7 : memref<!tpu.dma_semaphore, #tpu.memory_space<semaphore_mem>>) src(%dma_wait3A_160 : memref<1605632x64xf32, #tpu.memory_space<hbm>>) dst(%dma_wait3A_155 : memref<128x64xf32, #tpu.memory_space<vmem>>)
    %mul3A_161 = arith.constant 1280 : i32
    %mul3A_162 = arith.muli %add3A, %mul3A_161 : i32
    "tpu.region"() ({
      %run_scoped3A = tpu.sem_alloc : memref<!tpu.dma_semaphore, #tpu.memory_space<semaphore_mem>>
      %dma_start3A_163 = arith.constant 0 : i32
      %dma_start3A_164 = tpu.memref_slice %arg4[%mul3A_162, %dma_start3A_163] : memref<40960x64xf32, #tpu.memory_space<hbm>> -> memref<1280x64xf32, #tpu.memory_space<hbm>>
      %dma_start3A_165 = arith.constant 0 : i32
      %dma_start3A_166 = tpu.memref_slice %arg4[%mul3A_162, %dma_start3A_165] : memref<40960x64xf32, #tpu.memory_space<hbm>> -> memref<1280x64xf32, #tpu.memory_space<hbm>>
      tpu.enqueue_dma source(%arg6 : memref<1280x64xf32, #tpu.memory_space<vmem>>) target(%dma_start3A_166 : memref<1280x64xf32, #tpu.memory_space<hbm>>) target_semaphore(%run_scoped3A : memref<!tpu.dma_semaphore, #tpu.memory_space<semaphore_mem>>)
      %dma_wait3A_167 = arith.constant 0 : i32
      %dma_wait3A_168 = tpu.memref_slice %arg4[%mul3A_162, %dma_wait3A_167] : memref<40960x64xf32, #tpu.memory_space<hbm>> -> memref<1280x64xf32, #tpu.memory_space<hbm>>
      %dma_wait3A_169 = arith.constant 0 : i32
      %dma_wait3A_170 = tpu.memref_slice %arg4[%mul3A_162, %dma_wait3A_169] : memref<40960x64xf32, #tpu.memory_space<hbm>> -> memref<1280x64xf32, #tpu.memory_space<hbm>>
      tpu.wait_dma2 semaphore(%run_scoped3A : memref<!tpu.dma_semaphore, #tpu.memory_space<semaphore_mem>>) src(%arg6 : memref<1280x64xf32, #tpu.memory_space<vmem>>) dst(%dma_wait3A_170 : memref<1280x64xf32, #tpu.memory_space<hbm>>)
      tpu.yield
    }) : () -> ()
    return
  }
}

module attributes {stable_mosaic.version = 14 : i64} {
  func.func @_k2_body(%arg0: memref<1568x1024xf32, #tpu.memory_space<vmem>>, %arg1: memref<40x1024xi32, #tpu.memory_space<vmem>>, %arg2: memref<1568x1024xf32, #tpu.memory_space<vmem>>) attributes {dimension_semantics = [], scalar_prefetch = 0 : i64, scratch_operands = 1 : i64, tpu.core_type = #tpu.core_type<tc>} {
    %get3A = arith.constant 0 : index
    %get3A_0 = arith.constant 0 : index
    %get3A_1 = vector.load %arg0[%get3A, %get3A_0] : memref<1568x1024xf32, #tpu.memory_space<vmem>>, vector<1568x1024xf32>
    %swap3A = arith.constant 0 : index
    %swap3A_2 = arith.constant 0 : index
    %swap3A_3 = vector.load %arg2[%swap3A, %swap3A_2] : memref<1568x1024xf32, #tpu.memory_space<vmem>>, vector<1568x1024xf32>
    tpu.vector_store %arg2[%swap3A, %swap3A_2], %get3A_1 {strides = array<i32>} : memref<1568x1024xf32, #tpu.memory_space<vmem>>, vector<1568x1024xf32>,
    %broadcast_in_dim3A = arith.constant 0 : i32
    %broadcast_in_dim3A_4 = vector.broadcast %broadcast_in_dim3A : i32 to vector<40x1024xi32>
    %swap3A_5 = arith.constant 0 : index
    %swap3A_6 = arith.constant 0 : index
    %swap3A_7 = vector.load %arg1[%swap3A_5, %swap3A_6] : memref<40x1024xi32, #tpu.memory_space<vmem>>, vector<40x1024xi32>
    tpu.vector_store %arg1[%swap3A_5, %swap3A_6], %broadcast_in_dim3A_4 {strides = array<i32>} : memref<40x1024xi32, #tpu.memory_space<vmem>>, vector<40x1024xi32>,
    %scan3A = arith.constant 0 : i32
    %scan3A_8 = arith.constant 40 : i32
    %scan3A_9 = arith.addi %scan3A, %scan3A_8 : i32
    %scan3A_10 = arith.constant 1 : i32
    scf.for %scan3A_12 = %scan3A to %scan3A_9 step %scan3A_10  : i32 {
      %get3A_13 = arith.constant 0 : index
      %get3A_14 = arith.constant 0 : index
      %get3A_15 = vector.load %arg2[%get3A_13, %get3A_14] : memref<1568x1024xf32, #tpu.memory_space<vmem>>, vector<1568x1024xf32>
      %iota3A = tpu.iota {dimensions = array<i32: 0>} : vector<1568x1024xi32>
      %reduce_min3A = arith.constant dense<0x7F800000> : vector<1024xf32>
      %reduce_min3A_16 = vector.multi_reduction <minimumf>, %get3A_15, %reduce_min3A [0] : vector<1568x1024xf32> to vector<1024xf32>
      %broadcast_in_dim3A_17 = vector.shape_cast %reduce_min3A_16 : vector<1024xf32> to vector<1x1024xf32>
      %eq3A = vector.broadcast %broadcast_in_dim3A_17 : vector<1x1024xf32> to vector<1568x1024xf32>
      %eq3A_18 = arith.cmpf oeq, %get3A_15, %eq3A : vector<1568x1024xf32>
      %jit3A = arith.constant 2147483647 : i32
      %broadcast_in_dim3A_19 = vector.broadcast %jit3A : i32 to vector<1568x1024xi32>
      %select_n3A = arith.select %eq3A_18, %iota3A, %broadcast_in_dim3A_19 : vector<1568x1024xi1>, vector<1568x1024xi32>
      %reduce_min3A_20 = arith.constant dense<2147483647> : vector<1024xi32>
      %reduce_min3A_21 = vector.multi_reduction <minsi>, %select_n3A, %reduce_min3A_20 [0] : vector<1568x1024xi32> to vector<1024xi32>
      %iota3A_22 = tpu.iota {dimensions = array<i32: 0>} : vector<40x1024xi32>
      %iota3A_23 = tpu.iota {dimensions = array<i32: 1>} : vector<40x1024xi32>
      %eq3A_24 = vector.broadcast %scan3A_12 : i32 to vector<40x1024xi32>
      %eq3A_25 = arith.cmpi eq, %iota3A_22, %eq3A_24 : vector<40x1024xi32>
      %mul3A = arith.constant 1568 : i32
      %mul3A_26 = vector.broadcast %mul3A : i32 to vector<40x1024xi32>
      %mul3A_27 = arith.muli %iota3A_23, %mul3A_26 : vector<40x1024xi32>
      %broadcast_in_dim3A_28 = vector.shape_cast %reduce_min3A_21 : vector<1024xi32> to vector<1x1024xi32>
      %add3A = vector.broadcast %broadcast_in_dim3A_28 : vector<1x1024xi32> to vector<40x1024xi32>
      %add3A_29 = arith.addi %mul3A_27, %add3A : vector<40x1024xi32>
      %get3A_30 = arith.constant 0 : index
      %get3A_31 = arith.constant 0 : index
      %get3A_32 = vector.load %arg1[%get3A_30, %get3A_31] : memref<40x1024xi32, #tpu.memory_space<vmem>>, vector<40x1024xi32>
      %select_n3A_33 = arith.select %eq3A_25, %add3A_29, %get3A_32 : vector<40x1024xi1>, vector<40x1024xi32>
      %swap3A_34 = arith.constant 0 : index
      %swap3A_35 = arith.constant 0 : index
      %swap3A_36 = vector.load %arg1[%swap3A_34, %swap3A_35] : memref<40x1024xi32, #tpu.memory_space<vmem>>, vector<40x1024xi32>
      tpu.vector_store %arg1[%swap3A_34, %swap3A_35], %select_n3A_33 {strides = array<i32>} : memref<40x1024xi32, #tpu.memory_space<vmem>>, vector<40x1024xi32>,
      %broadcast_in_dim3A_37 = vector.shape_cast %reduce_min3A_21 : vector<1024xi32> to vector<1x1024xi32>
      %eq3A_38 = vector.broadcast %broadcast_in_dim3A_37 : vector<1x1024xi32> to vector<1568x1024xi32>
      %eq3A_39 = arith.cmpi eq, %iota3A, %eq3A_38 : vector<1568x1024xi32>
      %jit3A_40 = arith.constant 3.000000e+38 : f32
      %broadcast_in_dim3A_41 = vector.broadcast %jit3A_40 : f32 to vector<1568x1024xf32>
      %select_n3A_42 = arith.select %eq3A_39, %broadcast_in_dim3A_41, %get3A_15 : vector<1568x1024xi1>, vector<1568x1024xf32>
      %swap3A_43 = arith.constant 0 : index
      %swap3A_44 = arith.constant 0 : index
      %swap3A_45 = vector.load %arg2[%swap3A_43, %swap3A_44] : memref<1568x1024xf32, #tpu.memory_space<vmem>>, vector<1568x1024xf32>
      tpu.vector_store %arg2[%swap3A_43, %swap3A_44], %select_n3A_42 {strides = array<i32>} : memref<1568x1024xf32, #tpu.memory_space<vmem>>, vector<1568x1024xf32>,
    }
    %scan3A_11 = arith.constant 40 : i32
    return
  }
}

module attributes {stable_mosaic.version = 14 : i64} {
  func.func @_k1_body(%arg0: i32, %arg1: memref<1024x128xf32, #tpu.memory_space<vmem>>, %arg2: memref<1024x128xf32, #tpu.memory_space<vmem>>, %arg3: memref<1024x1024xf32, #tpu.memory_space<vmem>>, %arg4: memref<16x1024xf32, #tpu.memory_space<vmem>>) attributes {dimension_semantics = [#tpu.dimension_semantics<arbitrary>], iteration_bounds = array<i64: 98>, scalar_prefetch = 0 : i64, scratch_operands = 0 : i64, tpu.core_type = #tpu.core_type<tc>, window_params = [{pipeline_mode = #tpu.pipeline_mode<synchronous>, transform_indices = @transform_0, window_bounds = array<i64: 1024, 128>}, {transform_indices = @transform_1, window_bounds = array<i64: 1024, 128>}, {transform_indices = @transform_2, window_bounds = array<i64: 1024, 1024>}, {transform_indices = @transform_3, window_bounds = array<i64: 16, 1024>}]} {
    %get3A = arith.constant 0 : index
    %get3A_0 = arith.constant 0 : index
    %get3A_1 = vector.load %arg1[%get3A, %get3A_0] : memref<1024x128xf32, #tpu.memory_space<vmem>>, vector<1024x128xf32>
    %get3A_2 = arith.constant 0 : index
    %get3A_3 = arith.constant 0 : index
    %get3A_4 = vector.load %arg2[%get3A_2, %get3A_3] : memref<1024x128xf32, #tpu.memory_space<vmem>>, vector<1024x128xf32>
    %broadcast_in_dim3A = arith.constant 1.000000e+00 : f32
    %broadcast_in_dim3A_5 = vector.broadcast %broadcast_in_dim3A : f32 to vector<8x128xf32>
    %dot_general3A = arith.constant dense<0.000000e+00> : vector<1024x1024xf32>
    %dot_general3A_6 = tpu.matmul %get3A_1, %get3A_4, %dot_general3A {dimension_numbers = #tpu.dot_dimension_numbers<[1], [1], [0], [0], [0, 0, 1, 0], [], []>, transpose_lhs_hint = false} : vector<1024x128xf32>, vector<1024x128xf32>, vector<1024x1024xf32> -> vector<1024x1024xf32>
    %mul3A = arith.mulf %get3A_4, %get3A_4 : vector<1024x128xf32>
    %dot_general3A_7 = arith.constant dense<0.000000e+00> : vector<8x1024xf32>
    %dot_general3A_8 = tpu.matmul %broadcast_in_dim3A_5, %mul3A, %dot_general3A_7 {dimension_numbers = #tpu.dot_dimension_numbers<[1], [1], [0], [0], [0, 0, 1, 0], [], []>, precision = #tpu.contract_precision<fp32>, transpose_lhs_hint = false} : vector<8x128xf32>, vector<1024x128xf32>, vector<8x1024xf32> -> vector<8x1024xf32>
    %slice3A = vector.extract_strided_slice %dot_general3A_8 {offsets = [0, 0], sizes = [1, 1024], strides = [1, 1]} : vector<8x1024xf32> to vector<1x1024xf32>
    %mul3A_9 = arith.constant 1024 : i32
    %mul3A_10 = arith.muli %arg0, %mul3A_9 : i32
    %iota3A = tpu.iota {dimensions = array<i32: 1>} : vector<1x1024xi32>
    %add3A = vector.broadcast %mul3A_10 : i32 to vector<1x1024xi32>
    %add3A_11 = arith.addi %add3A, %iota3A : vector<1x1024xi32>
    %ge3A = arith.constant 100000 : i32
    %ge3A_12 = vector.broadcast %ge3A : i32 to vector<1x1024xi32>
    %ge3A_13 = arith.cmpi sge, %add3A_11, %ge3A_12 : vector<1x1024xi32>
    %jit3A = arith.constant 1.000000e+30 : f32
    %jit3A_14 = arith.constant 0.000000e+00 : f32
    %broadcast_in_dim3A_15 = vector.broadcast %jit3A : f32 to vector<1x1024xf32>
    %broadcast_in_dim3A_16 = vector.broadcast %jit3A_14 : f32 to vector<1x1024xf32>
    %select_n3A = arith.select %ge3A_13, %broadcast_in_dim3A_15, %broadcast_in_dim3A_16 : vector<1x1024xi1>, vector<1x1024xf32>
    %add3A_17 = arith.addf %slice3A, %select_n3A : vector<1x1024xf32>
    %mul3A_18 = arith.constant 2.000000e+00 : f32
    %mul3A_19 = vector.broadcast %mul3A_18 : f32 to vector<1024x1024xf32>
    %mul3A_20 = arith.mulf %mul3A_19, %dot_general3A_6 : vector<1024x1024xf32>
    %sub3A = vector.broadcast %add3A_17 : vector<1x1024xf32> to vector<1024x1024xf32>
    %sub3A_21 = arith.subf %sub3A, %mul3A_20 : vector<1024x1024xf32>
    %swap3A = arith.constant 0 : index
    %swap3A_22 = arith.constant 0 : index
    %swap3A_23 = vector.load %arg3[%swap3A, %swap3A_22] : memref<1024x1024xf32, #tpu.memory_space<vmem>>, vector<1024x1024xf32>
    tpu.vector_store %arg3[%swap3A, %swap3A_22], %sub3A_21 {strides = array<i32>} : memref<1024x1024xf32, #tpu.memory_space<vmem>>, vector<1024x1024xf32>,
    %dot_general3A_24 = arith.constant dense<0.000000e+00> : vector<1024x1024xf32>
    %dot_general3A_25 = tpu.matmul %get3A_4, %get3A_1, %dot_general3A_24 {dimension_numbers = #tpu.dot_dimension_numbers<[1], [1], [0], [0], [0, 0, 1, 0], [], []>, transpose_lhs_hint = false} : vector<1024x128xf32>, vector<1024x128xf32>, vector<1024x1024xf32> -> vector<1024x1024xf32>
    %mul3A_26 = arith.mulf %get3A_4, %get3A_4 : vector<1024x128xf32>
    %reduce_sum3A = arith.constant dense<0.000000e+00> : vector<1024xf32>
    %reduce_sum3A_27 = vector.multi_reduction <add>, %mul3A_26, %reduce_sum3A [1] : vector<1024x128xf32> to vector<1024xf32>
    %broadcast_in_dim3A_28 = vector.shape_cast %reduce_sum3A_27 : vector<1024xf32> to vector<1024x1xf32>
    %mul3A_29 = arith.constant 1024 : i32
    %mul3A_30 = arith.muli %arg0, %mul3A_29 : i32
    %iota3A_31 = tpu.iota {dimensions = array<i32: 0>} : vector<1024x1xi32>
    %add3A_32 = vector.broadcast %mul3A_30 : i32 to vector<1024x1xi32>
    %add3A_33 = arith.addi %add3A_32, %iota3A_31 : vector<1024x1xi32>
    %ge3A_34 = arith.constant 100000 : i32
    %ge3A_35 = vector.broadcast %ge3A_34 : i32 to vector<1024x1xi32>
    %ge3A_36 = arith.cmpi sge, %add3A_33, %ge3A_35 : vector<1024x1xi32>
    %jit3A_37 = arith.constant 1.000000e+30 : f32
    %jit3A_38 = arith.constant 0.000000e+00 : f32
    %broadcast_in_dim3A_39 = vector.broadcast %jit3A_37 : f32 to vector<1024x1xf32>
    %broadcast_in_dim3A_40 = vector.broadcast %jit3A_38 : f32 to vector<1024x1xf32>
    %select_n3A_41 = arith.select %ge3A_36, %broadcast_in_dim3A_39, %broadcast_in_dim3A_40 : vector<1024x1xi1>, vector<1024x1xf32>
    %add3A_42 = arith.addf %broadcast_in_dim3A_28, %select_n3A_41 : vector<1024x1xf32>
    %mul3A_43 = arith.constant 2.000000e+00 : f32
    %mul3A_44 = vector.broadcast %mul3A_43 : f32 to vector<1024x1024xf32>
    %mul3A_45 = arith.mulf %mul3A_44, %dot_general3A_25 : vector<1024x1024xf32>
    %sub3A_46 = vector.broadcast %add3A_42 : vector<1024x1xf32> to vector<1024x1024xf32>
    %sub3A_47 = arith.subf %sub3A_46, %mul3A_45 : vector<1024x1024xf32>
    %reshape3A = vector.shape_cast %sub3A_47 : vector<1024x1024xf32> to vector<16x64x1024xf32>
    %reduce_min3A = arith.constant dense<0x7F800000> : vector<16x1024xf32>
    %reduce_min3A_48 = vector.multi_reduction <minimumf>, %reshape3A, %reduce_min3A [1] : vector<16x64x1024xf32> to vector<16x1024xf32>
    %swap3A_49 = arith.constant 0 : index
    %swap3A_50 = arith.constant 0 : index
    %swap3A_51 = vector.load %arg4[%swap3A_49, %swap3A_50] : memref<16x1024xf32, #tpu.memory_space<vmem>>, vector<16x1024xf32>
    tpu.vector_store %arg4[%swap3A_49, %swap3A_50], %reduce_min3A_48 {strides = array<i32>} : memref<16x1024xf32, #tpu.memory_space<vmem>>, vector<16x1024xf32>,
    return
  }
  func.func @transform_0(%arg0: i32) -> (i32, i32) {
    %c0_i32 = arith.constant 0 : i32
    %c0_i32_0 = arith.constant 0 : i32
    %c0_i32_1 = arith.constant 0 : i32
    return %c0_i32, %c0_i32_0 : i32, i32
  }
  func.func @transform_1(%arg0: i32) -> (i32, i32) {
    %c0_i32 = arith.constant 0 : i32
    %c0_i32_0 = arith.constant 0 : i32
    return %arg0, %c0_i32 : i32, i32
  }
  func.func @transform_2(%arg0: i32) -> (i32, i32) {
    %c0_i32 = arith.constant 0 : i32
    %c0_i32_0 = arith.constant 0 : i32
    return %c0_i32, %arg0 : i32, i32
  }
  func.func @transform_3(%arg0: i32) -> (i32, i32) {
    %c0_i32 = arith.constant 0 : i32
    %c0_i32_0 = arith.constant 0 : i32
    return %arg0, %c0_i32 : i32, i32
  }
}

module attributes {stable_mosaic.version = 14 : i64} {
  func.func @_k4_body(%arg0: memref<1024x2560xf32, #tpu.memory_space<vmem>>, %arg1: memref<1024x40xi32, #tpu.memory_space<vmem>>, %arg2: memref<1024x128xf32, #tpu.memory_space<vmem>>, %arg3: memref<1024x32xf32, #tpu.memory_space<vmem>>, %arg4: memref<1024x32xi32, #tpu.memory_space<vmem>>, %arg5: memref<1024x32xi32, #tpu.memory_space<vmem>>, %arg6: memref<1024x2560xf32, #tpu.memory_space<vmem>>, %arg7: memref<1024x32xi32, #tpu.memory_space<vmem>>) attributes {dimension_semantics = [], scalar_prefetch = 0 : i64, scratch_operands = 2 : i64, tpu.core_type = #tpu.core_type<tc>} {
    %get3A = arith.constant 0 : index
    %get3A_0 = arith.constant 0 : index
    %get3A_1 = vector.load %arg0[%get3A, %get3A_0] : memref<1024x2560xf32, #tpu.memory_space<vmem>>, vector<1024x2560xf32>
    %swap3A = arith.constant 0 : index
    %swap3A_2 = arith.constant 0 : index
    %swap3A_3 = vector.load %arg6[%swap3A, %swap3A_2] : memref<1024x2560xf32, #tpu.memory_space<vmem>>, vector<1024x2560xf32>
    tpu.vector_store %arg6[%swap3A, %swap3A_2], %get3A_1 {strides = array<i32>} : memref<1024x2560xf32, #tpu.memory_space<vmem>>, vector<1024x2560xf32>,
    %broadcast_in_dim3A = arith.constant 0.000000e+00 : f32
    %broadcast_in_dim3A_4 = vector.broadcast %broadcast_in_dim3A : f32 to vector<1024x32xf32>
    %swap3A_5 = arith.constant 0 : index
    %swap3A_6 = arith.constant 0 : index
    %swap3A_7 = vector.load %arg3[%swap3A_5, %swap3A_6] : memref<1024x32xf32, #tpu.memory_space<vmem>>, vector<1024x32xf32>
    tpu.vector_store %arg3[%swap3A_5, %swap3A_6], %broadcast_in_dim3A_4 {strides = array<i32>} : memref<1024x32xf32, #tpu.memory_space<vmem>>, vector<1024x32xf32>,
    %broadcast_in_dim3A_8 = arith.constant 0 : i32
    %broadcast_in_dim3A_9 = vector.broadcast %broadcast_in_dim3A_8 : i32 to vector<1024x32xi32>
    %swap3A_10 = arith.constant 0 : index
    %swap3A_11 = arith.constant 0 : index
    %swap3A_12 = vector.load %arg7[%swap3A_10, %swap3A_11] : memref<1024x32xi32, #tpu.memory_space<vmem>>, vector<1024x32xi32>
    tpu.vector_store %arg7[%swap3A_10, %swap3A_11], %broadcast_in_dim3A_9 {strides = array<i32>} : memref<1024x32xi32, #tpu.memory_space<vmem>>, vector<1024x32xi32>,
    %scan3A = arith.constant 0 : i32
    %scan3A_13 = arith.constant 32 : i32
    %scan3A_14 = arith.addi %scan3A, %scan3A_13 : i32
    %scan3A_15 = arith.constant 1 : i32
    scf.for %scan3A_337 = %scan3A to %scan3A_14 step %scan3A_15  : i32 {
      %get3A_338 = arith.constant 0 : index
      %get3A_339 = arith.constant 0 : index
      %get3A_340 = vector.load %arg6[%get3A_338, %get3A_339] : memref<1024x2560xf32, #tpu.memory_space<vmem>>, vector<1024x2560xf32>
      %iota3A_341 = tpu.iota {dimensions = array<i32: 1>} : vector<1024x2560xi32>
      %reduce_min3A = arith.constant dense<0x7F800000> : vector<1024xf32>
      %reduce_min3A_342 = vector.multi_reduction <minimumf>, %get3A_340, %reduce_min3A [1] : vector<1024x2560xf32> to vector<1024xf32>
      %broadcast_in_dim3A_343 = vector.shape_cast %reduce_min3A_342 : vector<1024xf32> to vector<1024x1xf32>
      %eq3A_344 = vector.broadcast %broadcast_in_dim3A_343 : vector<1024x1xf32> to vector<1024x2560xf32>
      %eq3A_345 = arith.cmpf oeq, %get3A_340, %eq3A_344 : vector<1024x2560xf32>
      %jit3A = arith.constant 2147483647 : i32
      %broadcast_in_dim3A_346 = vector.broadcast %jit3A : i32 to vector<1024x2560xi32>
      %select_n3A_347 = arith.select %eq3A_345, %iota3A_341, %broadcast_in_dim3A_346 : vector<1024x2560xi1>, vector<1024x2560xi32>
      %reduce_min3A_348 = arith.constant dense<2147483647> : vector<1024xi32>
      %reduce_min3A_349 = vector.multi_reduction <minsi>, %select_n3A_347, %reduce_min3A_348 [1] : vector<1024x2560xi32> to vector<1024xi32>
      %broadcast_in_dim3A_350 = vector.shape_cast %reduce_min3A_349 : vector<1024xi32> to vector<1024x1xi32>
      %eq3A_351 = vector.broadcast %broadcast_in_dim3A_350 : vector<1024x1xi32> to vector<1024x2560xi32>
      %eq3A_352 = arith.cmpi eq, %iota3A_341, %eq3A_351 : vector<1024x2560xi32>
      %iota3A_353 = tpu.iota {dimensions = array<i32: 1>} : vector<1024x32xi32>
      %eq3A_354 = vector.broadcast %scan3A_337 : i32 to vector<1024x32xi32>
      %eq3A_355 = arith.cmpi eq, %iota3A_353, %eq3A_354 : vector<1024x32xi32>
      %broadcast_in_dim3A_356 = vector.shape_cast %reduce_min3A_342 : vector<1024xf32> to vector<1024x1xf32>
      %get3A_357 = arith.constant 0 : index
      %get3A_358 = arith.constant 0 : index
      %get3A_359 = vector.load %arg3[%get3A_357, %get3A_358] : memref<1024x32xf32, #tpu.memory_space<vmem>>, vector<1024x32xf32>
      %broadcast_in_dim3A_360 = vector.shape_cast %broadcast_in_dim3A_356 : vector<1024x1xf32> to vector<1024x1xf32>
      %broadcast_in_dim3A_361 = vector.broadcast %broadcast_in_dim3A_360 : vector<1024x1xf32> to vector<1024x32xf32>
      %select_n3A_362 = arith.select %eq3A_355, %broadcast_in_dim3A_361, %get3A_359 : vector<1024x32xi1>, vector<1024x32xf32>
      %swap3A_363 = arith.constant 0 : index
      %swap3A_364 = arith.constant 0 : index
      %swap3A_365 = vector.load %arg3[%swap3A_363, %swap3A_364] : memref<1024x32xf32, #tpu.memory_space<vmem>>, vector<1024x32xf32>
      tpu.vector_store %arg3[%swap3A_363, %swap3A_364], %select_n3A_362 {strides = array<i32>} : memref<1024x32xf32, #tpu.memory_space<vmem>>, vector<1024x32xf32>,
      %eq3A_366 = vector.broadcast %scan3A_337 : i32 to vector<1024x32xi32>
      %eq3A_367 = arith.cmpi eq, %iota3A_353, %eq3A_366 : vector<1024x32xi32>
      %broadcast_in_dim3A_368 = vector.shape_cast %reduce_min3A_349 : vector<1024xi32> to vector<1024x1xi32>
      %get3A_369 = arith.constant 0 : index
      %get3A_370 = arith.constant 0 : index
      %get3A_371 = vector.load %arg7[%get3A_369, %get3A_370] : memref<1024x32xi32, #tpu.memory_space<vmem>>, vector<1024x32xi32>
      %broadcast_in_dim3A_372 = vector.shape_cast %broadcast_in_dim3A_368 : vector<1024x1xi32> to vector<1024x1xi32>
      %broadcast_in_dim3A_373 = vector.broadcast %broadcast_in_dim3A_372 : vector<1024x1xi32> to vector<1024x32xi32>
      %select_n3A_374 = arith.select %eq3A_367, %broadcast_in_dim3A_373, %get3A_371 : vector<1024x32xi1>, vector<1024x32xi32>
      %swap3A_375 = arith.constant 0 : index
      %swap3A_376 = arith.constant 0 : index
      %swap3A_377 = vector.load %arg7[%swap3A_375, %swap3A_376] : memref<1024x32xi32, #tpu.memory_space<vmem>>, vector<1024x32xi32>
      tpu.vector_store %arg7[%swap3A_375, %swap3A_376], %select_n3A_374 {strides = array<i32>} : memref<1024x32xi32, #tpu.memory_space<vmem>>, vector<1024x32xi32>,
      %jit3A_378 = arith.constant 3.000000e+38 : f32
      %broadcast_in_dim3A_379 = vector.broadcast %jit3A_378 : f32 to vector<1024x2560xf32>
      %select_n3A_380 = arith.select %eq3A_352, %broadcast_in_dim3A_379, %get3A_340 : vector<1024x2560xi1>, vector<1024x2560xf32>
      %swap3A_381 = arith.constant 0 : index
      %swap3A_382 = arith.constant 0 : index
      %swap3A_383 = vector.load %arg6[%swap3A_381, %swap3A_382] : memref<1024x2560xf32, #tpu.memory_space<vmem>>, vector<1024x2560xf32>
      tpu.vector_store %arg6[%swap3A_381, %swap3A_382], %select_n3A_380 {strides = array<i32>} : memref<1024x2560xf32, #tpu.memory_space<vmem>>, vector<1024x2560xf32>,
    }
    %scan3A_16 = arith.constant 32 : i32
    %get3A_17 = arith.constant 0 : index
    %get3A_18 = arith.constant 0 : index
    %get3A_19 = vector.load %arg2[%get3A_17, %get3A_18] : memref<1024x128xf32, #tpu.memory_space<vmem>>, vector<1024x128xf32>
    %mul3A = arith.mulf %get3A_19, %get3A_19 : vector<1024x128xf32>
    %reduce_sum3A = arith.constant dense<0.000000e+00> : vector<1024xf32>
    %reduce_sum3A_20 = vector.multi_reduction <add>, %mul3A, %reduce_sum3A [1] : vector<1024x128xf32> to vector<1024xf32>
    %broadcast_in_dim3A_21 = vector.shape_cast %reduce_sum3A_20 : vector<1024xf32> to vector<1024x1xf32>
    %get3A_22 = arith.constant 0 : index
    %get3A_23 = arith.constant 0 : index
    %get3A_24 = vector.load %arg1[%get3A_22, %get3A_23] : memref<1024x40xi32, #tpu.memory_space<vmem>>, vector<1024x40xi32>
    %iota3A = tpu.iota {dimensions = array<i32: 0>} : vector<1024x40xi32>
    %mul3A_25 = arith.constant 1568 : i32
    %mul3A_26 = vector.broadcast %mul3A_25 : i32 to vector<1024x40xi32>
    %mul3A_27 = arith.muli %iota3A, %mul3A_26 : vector<1024x40xi32>
    %sub3A = arith.subi %get3A_24, %mul3A_27 : vector<1024x40xi32>
    %get3A_28 = arith.constant 0 : index
    %get3A_29 = arith.constant 0 : index
    %get3A_30 = vector.load %arg7[%get3A_28, %get3A_29] : memref<1024x32xi32, #tpu.memory_space<vmem>>, vector<1024x32xi32>
    %shift_right_arithmetic3A = arith.constant 6 : i32
    %shift_right_arithmetic3A_31 = vector.broadcast %shift_right_arithmetic3A : i32 to vector<1024x32xi32>
    %shift_right_arithmetic3A_32 = arith.shrsi %get3A_30, %shift_right_arithmetic3A_31 : vector<1024x32xi32>
    %and3A = arith.constant 63 : i32
    %and3A_33 = vector.broadcast %and3A : i32 to vector<1024x32xi32>
    %and3A_34 = arith.andi %get3A_30, %and3A_33 : vector<1024x32xi32>
    %broadcast_in_dim3A_35 = arith.constant 0 : i32
    %broadcast_in_dim3A_36 = vector.broadcast %broadcast_in_dim3A_35 : i32 to vector<1024x32xi32>
    %eq3A = arith.constant 0 : i32
    %eq3A_37 = vector.broadcast %eq3A : i32 to vector<1024x32xi32>
    %eq3A_38 = arith.cmpi eq, %shift_right_arithmetic3A_32, %eq3A_37 : vector<1024x32xi32>
    %slice3A = vector.extract_strided_slice %sub3A {offsets = [0, 0], sizes = [1024, 1], strides = [1, 1]} : vector<1024x40xi32> to vector<1024x1xi32>
    %broadcast_in_dim3A_39 = vector.shape_cast %slice3A : vector<1024x1xi32> to vector<1024x1xi32>
    %broadcast_in_dim3A_40 = vector.broadcast %broadcast_in_dim3A_39 : vector<1024x1xi32> to vector<1024x32xi32>
    %select_n3A = arith.select %eq3A_38, %broadcast_in_dim3A_40, %broadcast_in_dim3A_36 : vector<1024x32xi1>, vector<1024x32xi32>
    %eq3A_41 = arith.constant 1 : i32
    %eq3A_42 = vector.broadcast %eq3A_41 : i32 to vector<1024x32xi32>
    %eq3A_43 = arith.cmpi eq, %shift_right_arithmetic3A_32, %eq3A_42 : vector<1024x32xi32>
    %slice3A_44 = vector.extract_strided_slice %sub3A {offsets = [0, 1], sizes = [1024, 1], strides = [1, 1]} : vector<1024x40xi32> to vector<1024x1xi32>
    %broadcast_in_dim3A_45 = vector.shape_cast %slice3A_44 : vector<1024x1xi32> to vector<1024x1xi32>
    %broadcast_in_dim3A_46 = vector.broadcast %broadcast_in_dim3A_45 : vector<1024x1xi32> to vector<1024x32xi32>
    %select_n3A_47 = arith.select %eq3A_43, %broadcast_in_dim3A_46, %select_n3A : vector<1024x32xi1>, vector<1024x32xi32>
    %eq3A_48 = arith.constant 2 : i32
    %eq3A_49 = vector.broadcast %eq3A_48 : i32 to vector<1024x32xi32>
    %eq3A_50 = arith.cmpi eq, %shift_right_arithmetic3A_32, %eq3A_49 : vector<1024x32xi32>
    %slice3A_51 = vector.extract_strided_slice %sub3A {offsets = [0, 2], sizes = [1024, 1], strides = [1, 1]} : vector<1024x40xi32> to vector<1024x1xi32>
    %broadcast_in_dim3A_52 = vector.shape_cast %slice3A_51 : vector<1024x1xi32> to vector<1024x1xi32>
    %broadcast_in_dim3A_53 = vector.broadcast %broadcast_in_dim3A_52 : vector<1024x1xi32> to vector<1024x32xi32>
    %select_n3A_54 = arith.select %eq3A_50, %broadcast_in_dim3A_53, %select_n3A_47 : vector<1024x32xi1>, vector<1024x32xi32>
    %eq3A_55 = arith.constant 3 : i32
    %eq3A_56 = vector.broadcast %eq3A_55 : i32 to vector<1024x32xi32>
    %eq3A_57 = arith.cmpi eq, %shift_right_arithmetic3A_32, %eq3A_56 : vector<1024x32xi32>
    %slice3A_58 = vector.extract_strided_slice %sub3A {offsets = [0, 3], sizes = [1024, 1], strides = [1, 1]} : vector<1024x40xi32> to vector<1024x1xi32>
    %broadcast_in_dim3A_59 = vector.shape_cast %slice3A_58 : vector<1024x1xi32> to vector<1024x1xi32>
    %broadcast_in_dim3A_60 = vector.broadcast %broadcast_in_dim3A_59 : vector<1024x1xi32> to vector<1024x32xi32>
    %select_n3A_61 = arith.select %eq3A_57, %broadcast_in_dim3A_60, %select_n3A_54 : vector<1024x32xi1>, vector<1024x32xi32>
    %eq3A_62 = arith.constant 4 : i32
    %eq3A_63 = vector.broadcast %eq3A_62 : i32 to vector<1024x32xi32>
    %eq3A_64 = arith.cmpi eq, %shift_right_arithmetic3A_32, %eq3A_63 : vector<1024x32xi32>
    %slice3A_65 = vector.extract_strided_slice %sub3A {offsets = [0, 4], sizes = [1024, 1], strides = [1, 1]} : vector<1024x40xi32> to vector<1024x1xi32>
    %broadcast_in_dim3A_66 = vector.shape_cast %slice3A_65 : vector<1024x1xi32> to vector<1024x1xi32>
    %broadcast_in_dim3A_67 = vector.broadcast %broadcast_in_dim3A_66 : vector<1024x1xi32> to vector<1024x32xi32>
    %select_n3A_68 = arith.select %eq3A_64, %broadcast_in_dim3A_67, %select_n3A_61 : vector<1024x32xi1>, vector<1024x32xi32>
    %eq3A_69 = arith.constant 5 : i32
    %eq3A_70 = vector.broadcast %eq3A_69 : i32 to vector<1024x32xi32>
    %eq3A_71 = arith.cmpi eq, %shift_right_arithmetic3A_32, %eq3A_70 : vector<1024x32xi32>
    %slice3A_72 = vector.extract_strided_slice %sub3A {offsets = [0, 5], sizes = [1024, 1], strides = [1, 1]} : vector<1024x40xi32> to vector<1024x1xi32>
    %broadcast_in_dim3A_73 = vector.shape_cast %slice3A_72 : vector<1024x1xi32> to vector<1024x1xi32>
    %broadcast_in_dim3A_74 = vector.broadcast %broadcast_in_dim3A_73 : vector<1024x1xi32> to vector<1024x32xi32>
    %select_n3A_75 = arith.select %eq3A_71, %broadcast_in_dim3A_74, %select_n3A_68 : vector<1024x32xi1>, vector<1024x32xi32>
    %eq3A_76 = arith.constant 6 : i32
    %eq3A_77 = vector.broadcast %eq3A_76 : i32 to vector<1024x32xi32>
    %eq3A_78 = arith.cmpi eq, %shift_right_arithmetic3A_32, %eq3A_77 : vector<1024x32xi32>
    %slice3A_79 = vector.extract_strided_slice %sub3A {offsets = [0, 6], sizes = [1024, 1], strides = [1, 1]} : vector<1024x40xi32> to vector<1024x1xi32>
    %broadcast_in_dim3A_80 = vector.shape_cast %slice3A_79 : vector<1024x1xi32> to vector<1024x1xi32>
    %broadcast_in_dim3A_81 = vector.broadcast %broadcast_in_dim3A_80 : vector<1024x1xi32> to vector<1024x32xi32>
    %select_n3A_82 = arith.select %eq3A_78, %broadcast_in_dim3A_81, %select_n3A_75 : vector<1024x32xi1>, vector<1024x32xi32>
    %eq3A_83 = arith.constant 7 : i32
    %eq3A_84 = vector.broadcast %eq3A_83 : i32 to vector<1024x32xi32>
    %eq3A_85 = arith.cmpi eq, %shift_right_arithmetic3A_32, %eq3A_84 : vector<1024x32xi32>
    %slice3A_86 = vector.extract_strided_slice %sub3A {offsets = [0, 7], sizes = [1024, 1], strides = [1, 1]} : vector<1024x40xi32> to vector<1024x1xi32>
    %broadcast_in_dim3A_87 = vector.shape_cast %slice3A_86 : vector<1024x1xi32> to vector<1024x1xi32>
    %broadcast_in_dim3A_88 = vector.broadcast %broadcast_in_dim3A_87 : vector<1024x1xi32> to vector<1024x32xi32>
    %select_n3A_89 = arith.select %eq3A_85, %broadcast_in_dim3A_88, %select_n3A_82 : vector<1024x32xi1>, vector<1024x32xi32>
    %eq3A_90 = arith.constant 8 : i32
    %eq3A_91 = vector.broadcast %eq3A_90 : i32 to vector<1024x32xi32>
    %eq3A_92 = arith.cmpi eq, %shift_right_arithmetic3A_32, %eq3A_91 : vector<1024x32xi32>
    %slice3A_93 = vector.extract_strided_slice %sub3A {offsets = [0, 8], sizes = [1024, 1], strides = [1, 1]} : vector<1024x40xi32> to vector<1024x1xi32>
    %broadcast_in_dim3A_94 = vector.shape_cast %slice3A_93 : vector<1024x1xi32> to vector<1024x1xi32>
    %broadcast_in_dim3A_95 = vector.broadcast %broadcast_in_dim3A_94 : vector<1024x1xi32> to vector<1024x32xi32>
    %select_n3A_96 = arith.select %eq3A_92, %broadcast_in_dim3A_95, %select_n3A_89 : vector<1024x32xi1>, vector<1024x32xi32>
    %eq3A_97 = arith.constant 9 : i32
    %eq3A_98 = vector.broadcast %eq3A_97 : i32 to vector<1024x32xi32>
    %eq3A_99 = arith.cmpi eq, %shift_right_arithmetic3A_32, %eq3A_98 : vector<1024x32xi32>
    %slice3A_100 = vector.extract_strided_slice %sub3A {offsets = [0, 9], sizes = [1024, 1], strides = [1, 1]} : vector<1024x40xi32> to vector<1024x1xi32>
    %broadcast_in_dim3A_101 = vector.shape_cast %slice3A_100 : vector<1024x1xi32> to vector<1024x1xi32>
    %broadcast_in_dim3A_102 = vector.broadcast %broadcast_in_dim3A_101 : vector<1024x1xi32> to vector<1024x32xi32>
    %select_n3A_103 = arith.select %eq3A_99, %broadcast_in_dim3A_102, %select_n3A_96 : vector<1024x32xi1>, vector<1024x32xi32>
    %eq3A_104 = arith.constant 10 : i32
    %eq3A_105 = vector.broadcast %eq3A_104 : i32 to vector<1024x32xi32>
    %eq3A_106 = arith.cmpi eq, %shift_right_arithmetic3A_32, %eq3A_105 : vector<1024x32xi32>
    %slice3A_107 = vector.extract_strided_slice %sub3A {offsets = [0, 10], sizes = [1024, 1], strides = [1, 1]} : vector<1024x40xi32> to vector<1024x1xi32>
    %broadcast_in_dim3A_108 = vector.shape_cast %slice3A_107 : vector<1024x1xi32> to vector<1024x1xi32>
    %broadcast_in_dim3A_109 = vector.broadcast %broadcast_in_dim3A_108 : vector<1024x1xi32> to vector<1024x32xi32>
    %select_n3A_110 = arith.select %eq3A_106, %broadcast_in_dim3A_109, %select_n3A_103 : vector<1024x32xi1>, vector<1024x32xi32>
    %eq3A_111 = arith.constant 11 : i32
    %eq3A_112 = vector.broadcast %eq3A_111 : i32 to vector<1024x32xi32>
    %eq3A_113 = arith.cmpi eq, %shift_right_arithmetic3A_32, %eq3A_112 : vector<1024x32xi32>
    %slice3A_114 = vector.extract_strided_slice %sub3A {offsets = [0, 11], sizes = [1024, 1], strides = [1, 1]} : vector<1024x40xi32> to vector<1024x1xi32>
    %broadcast_in_dim3A_115 = vector.shape_cast %slice3A_114 : vector<1024x1xi32> to vector<1024x1xi32>
    %broadcast_in_dim3A_116 = vector.broadcast %broadcast_in_dim3A_115 : vector<1024x1xi32> to vector<1024x32xi32>
    %select_n3A_117 = arith.select %eq3A_113, %broadcast_in_dim3A_116, %select_n3A_110 : vector<1024x32xi1>, vector<1024x32xi32>
    %eq3A_118 = arith.constant 12 : i32
    %eq3A_119 = vector.broadcast %eq3A_118 : i32 to vector<1024x32xi32>
    %eq3A_120 = arith.cmpi eq, %shift_right_arithmetic3A_32, %eq3A_119 : vector<1024x32xi32>
    %slice3A_121 = vector.extract_strided_slice %sub3A {offsets = [0, 12], sizes = [1024, 1], strides = [1, 1]} : vector<1024x40xi32> to vector<1024x1xi32>
    %broadcast_in_dim3A_122 = vector.shape_cast %slice3A_121 : vector<1024x1xi32> to vector<1024x1xi32>
    %broadcast_in_dim3A_123 = vector.broadcast %broadcast_in_dim3A_122 : vector<1024x1xi32> to vector<1024x32xi32>
    %select_n3A_124 = arith.select %eq3A_120, %broadcast_in_dim3A_123, %select_n3A_117 : vector<1024x32xi1>, vector<1024x32xi32>
    %eq3A_125 = arith.constant 13 : i32
    %eq3A_126 = vector.broadcast %eq3A_125 : i32 to vector<1024x32xi32>
    %eq3A_127 = arith.cmpi eq, %shift_right_arithmetic3A_32, %eq3A_126 : vector<1024x32xi32>
    %slice3A_128 = vector.extract_strided_slice %sub3A {offsets = [0, 13], sizes = [1024, 1], strides = [1, 1]} : vector<1024x40xi32> to vector<1024x1xi32>
    %broadcast_in_dim3A_129 = vector.shape_cast %slice3A_128 : vector<1024x1xi32> to vector<1024x1xi32>
    %broadcast_in_dim3A_130 = vector.broadcast %broadcast_in_dim3A_129 : vector<1024x1xi32> to vector<1024x32xi32>
    %select_n3A_131 = arith.select %eq3A_127, %broadcast_in_dim3A_130, %select_n3A_124 : vector<1024x32xi1>, vector<1024x32xi32>
    %eq3A_132 = arith.constant 14 : i32
    %eq3A_133 = vector.broadcast %eq3A_132 : i32 to vector<1024x32xi32>
    %eq3A_134 = arith.cmpi eq, %shift_right_arithmetic3A_32, %eq3A_133 : vector<1024x32xi32>
    %slice3A_135 = vector.extract_strided_slice %sub3A {offsets = [0, 14], sizes = [1024, 1], strides = [1, 1]} : vector<1024x40xi32> to vector<1024x1xi32>
    %broadcast_in_dim3A_136 = vector.shape_cast %slice3A_135 : vector<1024x1xi32> to vector<1024x1xi32>
    %broadcast_in_dim3A_137 = vector.broadcast %broadcast_in_dim3A_136 : vector<1024x1xi32> to vector<1024x32xi32>
    %select_n3A_138 = arith.select %eq3A_134, %broadcast_in_dim3A_137, %select_n3A_131 : vector<1024x32xi1>, vector<1024x32xi32>
    %eq3A_139 = arith.constant 15 : i32
    %eq3A_140 = vector.broadcast %eq3A_139 : i32 to vector<1024x32xi32>
    %eq3A_141 = arith.cmpi eq, %shift_right_arithmetic3A_32, %eq3A_140 : vector<1024x32xi32>
    %slice3A_142 = vector.extract_strided_slice %sub3A {offsets = [0, 15], sizes = [1024, 1], strides = [1, 1]} : vector<1024x40xi32> to vector<1024x1xi32>
    %broadcast_in_dim3A_143 = vector.shape_cast %slice3A_142 : vector<1024x1xi32> to vector<1024x1xi32>
    %broadcast_in_dim3A_144 = vector.broadcast %broadcast_in_dim3A_143 : vector<1024x1xi32> to vector<1024x32xi32>
    %select_n3A_145 = arith.select %eq3A_141, %broadcast_in_dim3A_144, %select_n3A_138 : vector<1024x32xi1>, vector<1024x32xi32>
    %eq3A_146 = arith.constant 16 : i32
    %eq3A_147 = vector.broadcast %eq3A_146 : i32 to vector<1024x32xi32>
    %eq3A_148 = arith.cmpi eq, %shift_right_arithmetic3A_32, %eq3A_147 : vector<1024x32xi32>
    %slice3A_149 = vector.extract_strided_slice %sub3A {offsets = [0, 16], sizes = [1024, 1], strides = [1, 1]} : vector<1024x40xi32> to vector<1024x1xi32>
    %broadcast_in_dim3A_150 = vector.shape_cast %slice3A_149 : vector<1024x1xi32> to vector<1024x1xi32>
    %broadcast_in_dim3A_151 = vector.broadcast %broadcast_in_dim3A_150 : vector<1024x1xi32> to vector<1024x32xi32>
    %select_n3A_152 = arith.select %eq3A_148, %broadcast_in_dim3A_151, %select_n3A_145 : vector<1024x32xi1>, vector<1024x32xi32>
    %eq3A_153 = arith.constant 17 : i32
    %eq3A_154 = vector.broadcast %eq3A_153 : i32 to vector<1024x32xi32>
    %eq3A_155 = arith.cmpi eq, %shift_right_arithmetic3A_32, %eq3A_154 : vector<1024x32xi32>
    %slice3A_156 = vector.extract_strided_slice %sub3A {offsets = [0, 17], sizes = [1024, 1], strides = [1, 1]} : vector<1024x40xi32> to vector<1024x1xi32>
    %broadcast_in_dim3A_157 = vector.shape_cast %slice3A_156 : vector<1024x1xi32> to vector<1024x1xi32>
    %broadcast_in_dim3A_158 = vector.broadcast %broadcast_in_dim3A_157 : vector<1024x1xi32> to vector<1024x32xi32>
    %select_n3A_159 = arith.select %eq3A_155, %broadcast_in_dim3A_158, %select_n3A_152 : vector<1024x32xi1>, vector<1024x32xi32>
    %eq3A_160 = arith.constant 18 : i32
    %eq3A_161 = vector.broadcast %eq3A_160 : i32 to vector<1024x32xi32>
    %eq3A_162 = arith.cmpi eq, %shift_right_arithmetic3A_32, %eq3A_161 : vector<1024x32xi32>
    %slice3A_163 = vector.extract_strided_slice %sub3A {offsets = [0, 18], sizes = [1024, 1], strides = [1, 1]} : vector<1024x40xi32> to vector<1024x1xi32>
    %broadcast_in_dim3A_164 = vector.shape_cast %slice3A_163 : vector<1024x1xi32> to vector<1024x1xi32>
    %broadcast_in_dim3A_165 = vector.broadcast %broadcast_in_dim3A_164 : vector<1024x1xi32> to vector<1024x32xi32>
    %select_n3A_166 = arith.select %eq3A_162, %broadcast_in_dim3A_165, %select_n3A_159 : vector<1024x32xi1>, vector<1024x32xi32>
    %eq3A_167 = arith.constant 19 : i32
    %eq3A_168 = vector.broadcast %eq3A_167 : i32 to vector<1024x32xi32>
    %eq3A_169 = arith.cmpi eq, %shift_right_arithmetic3A_32, %eq3A_168 : vector<1024x32xi32>
    %slice3A_170 = vector.extract_strided_slice %sub3A {offsets = [0, 19], sizes = [1024, 1], strides = [1, 1]} : vector<1024x40xi32> to vector<1024x1xi32>
    %broadcast_in_dim3A_171 = vector.shape_cast %slice3A_170 : vector<1024x1xi32> to vector<1024x1xi32>
    %broadcast_in_dim3A_172 = vector.broadcast %broadcast_in_dim3A_171 : vector<1024x1xi32> to vector<1024x32xi32>
    %select_n3A_173 = arith.select %eq3A_169, %broadcast_in_dim3A_172, %select_n3A_166 : vector<1024x32xi1>, vector<1024x32xi32>
    %eq3A_174 = arith.constant 20 : i32
    %eq3A_175 = vector.broadcast %eq3A_174 : i32 to vector<1024x32xi32>
    %eq3A_176 = arith.cmpi eq, %shift_right_arithmetic3A_32, %eq3A_175 : vector<1024x32xi32>
    %slice3A_177 = vector.extract_strided_slice %sub3A {offsets = [0, 20], sizes = [1024, 1], strides = [1, 1]} : vector<1024x40xi32> to vector<1024x1xi32>
    %broadcast_in_dim3A_178 = vector.shape_cast %slice3A_177 : vector<1024x1xi32> to vector<1024x1xi32>
    %broadcast_in_dim3A_179 = vector.broadcast %broadcast_in_dim3A_178 : vector<1024x1xi32> to vector<1024x32xi32>
    %select_n3A_180 = arith.select %eq3A_176, %broadcast_in_dim3A_179, %select_n3A_173 : vector<1024x32xi1>, vector<1024x32xi32>
    %eq3A_181 = arith.constant 21 : i32
    %eq3A_182 = vector.broadcast %eq3A_181 : i32 to vector<1024x32xi32>
    %eq3A_183 = arith.cmpi eq, %shift_right_arithmetic3A_32, %eq3A_182 : vector<1024x32xi32>
    %slice3A_184 = vector.extract_strided_slice %sub3A {offsets = [0, 21], sizes = [1024, 1], strides = [1, 1]} : vector<1024x40xi32> to vector<1024x1xi32>
    %broadcast_in_dim3A_185 = vector.shape_cast %slice3A_184 : vector<1024x1xi32> to vector<1024x1xi32>
    %broadcast_in_dim3A_186 = vector.broadcast %broadcast_in_dim3A_185 : vector<1024x1xi32> to vector<1024x32xi32>
    %select_n3A_187 = arith.select %eq3A_183, %broadcast_in_dim3A_186, %select_n3A_180 : vector<1024x32xi1>, vector<1024x32xi32>
    %eq3A_188 = arith.constant 22 : i32
    %eq3A_189 = vector.broadcast %eq3A_188 : i32 to vector<1024x32xi32>
    %eq3A_190 = arith.cmpi eq, %shift_right_arithmetic3A_32, %eq3A_189 : vector<1024x32xi32>
    %slice3A_191 = vector.extract_strided_slice %sub3A {offsets = [0, 22], sizes = [1024, 1], strides = [1, 1]} : vector<1024x40xi32> to vector<1024x1xi32>
    %broadcast_in_dim3A_192 = vector.shape_cast %slice3A_191 : vector<1024x1xi32> to vector<1024x1xi32>
    %broadcast_in_dim3A_193 = vector.broadcast %broadcast_in_dim3A_192 : vector<1024x1xi32> to vector<1024x32xi32>
    %select_n3A_194 = arith.select %eq3A_190, %broadcast_in_dim3A_193, %select_n3A_187 : vector<1024x32xi1>, vector<1024x32xi32>
    %eq3A_195 = arith.constant 23 : i32
    %eq3A_196 = vector.broadcast %eq3A_195 : i32 to vector<1024x32xi32>
    %eq3A_197 = arith.cmpi eq, %shift_right_arithmetic3A_32, %eq3A_196 : vector<1024x32xi32>
    %slice3A_198 = vector.extract_strided_slice %sub3A {offsets = [0, 23], sizes = [1024, 1], strides = [1, 1]} : vector<1024x40xi32> to vector<1024x1xi32>
    %broadcast_in_dim3A_199 = vector.shape_cast %slice3A_198 : vector<1024x1xi32> to vector<1024x1xi32>
    %broadcast_in_dim3A_200 = vector.broadcast %broadcast_in_dim3A_199 : vector<1024x1xi32> to vector<1024x32xi32>
    %select_n3A_201 = arith.select %eq3A_197, %broadcast_in_dim3A_200, %select_n3A_194 : vector<1024x32xi1>, vector<1024x32xi32>
    %eq3A_202 = arith.constant 24 : i32
    %eq3A_203 = vector.broadcast %eq3A_202 : i32 to vector<1024x32xi32>
    %eq3A_204 = arith.cmpi eq, %shift_right_arithmetic3A_32, %eq3A_203 : vector<1024x32xi32>
    %slice3A_205 = vector.extract_strided_slice %sub3A {offsets = [0, 24], sizes = [1024, 1], strides = [1, 1]} : vector<1024x40xi32> to vector<1024x1xi32>
    %broadcast_in_dim3A_206 = vector.shape_cast %slice3A_205 : vector<1024x1xi32> to vector<1024x1xi32>
    %broadcast_in_dim3A_207 = vector.broadcast %broadcast_in_dim3A_206 : vector<1024x1xi32> to vector<1024x32xi32>
    %select_n3A_208 = arith.select %eq3A_204, %broadcast_in_dim3A_207, %select_n3A_201 : vector<1024x32xi1>, vector<1024x32xi32>
    %eq3A_209 = arith.constant 25 : i32
    %eq3A_210 = vector.broadcast %eq3A_209 : i32 to vector<1024x32xi32>
    %eq3A_211 = arith.cmpi eq, %shift_right_arithmetic3A_32, %eq3A_210 : vector<1024x32xi32>
    %slice3A_212 = vector.extract_strided_slice %sub3A {offsets = [0, 25], sizes = [1024, 1], strides = [1, 1]} : vector<1024x40xi32> to vector<1024x1xi32>
    %broadcast_in_dim3A_213 = vector.shape_cast %slice3A_212 : vector<1024x1xi32> to vector<1024x1xi32>
    %broadcast_in_dim3A_214 = vector.broadcast %broadcast_in_dim3A_213 : vector<1024x1xi32> to vector<1024x32xi32>
    %select_n3A_215 = arith.select %eq3A_211, %broadcast_in_dim3A_214, %select_n3A_208 : vector<1024x32xi1>, vector<1024x32xi32>
    %eq3A_216 = arith.constant 26 : i32
    %eq3A_217 = vector.broadcast %eq3A_216 : i32 to vector<1024x32xi32>
    %eq3A_218 = arith.cmpi eq, %shift_right_arithmetic3A_32, %eq3A_217 : vector<1024x32xi32>
    %slice3A_219 = vector.extract_strided_slice %sub3A {offsets = [0, 26], sizes = [1024, 1], strides = [1, 1]} : vector<1024x40xi32> to vector<1024x1xi32>
    %broadcast_in_dim3A_220 = vector.shape_cast %slice3A_219 : vector<1024x1xi32> to vector<1024x1xi32>
    %broadcast_in_dim3A_221 = vector.broadcast %broadcast_in_dim3A_220 : vector<1024x1xi32> to vector<1024x32xi32>
    %select_n3A_222 = arith.select %eq3A_218, %broadcast_in_dim3A_221, %select_n3A_215 : vector<1024x32xi1>, vector<1024x32xi32>
    %eq3A_223 = arith.constant 27 : i32
    %eq3A_224 = vector.broadcast %eq3A_223 : i32 to vector<1024x32xi32>
    %eq3A_225 = arith.cmpi eq, %shift_right_arithmetic3A_32, %eq3A_224 : vector<1024x32xi32>
    %slice3A_226 = vector.extract_strided_slice %sub3A {offsets = [0, 27], sizes = [1024, 1], strides = [1, 1]} : vector<1024x40xi32> to vector<1024x1xi32>
    %broadcast_in_dim3A_227 = vector.shape_cast %slice3A_226 : vector<1024x1xi32> to vector<1024x1xi32>
    %broadcast_in_dim3A_228 = vector.broadcast %broadcast_in_dim3A_227 : vector<1024x1xi32> to vector<1024x32xi32>
    %select_n3A_229 = arith.select %eq3A_225, %broadcast_in_dim3A_228, %select_n3A_222 : vector<1024x32xi1>, vector<1024x32xi32>
    %eq3A_230 = arith.constant 28 : i32
    %eq3A_231 = vector.broadcast %eq3A_230 : i32 to vector<1024x32xi32>
    %eq3A_232 = arith.cmpi eq, %shift_right_arithmetic3A_32, %eq3A_231 : vector<1024x32xi32>
    %slice3A_233 = vector.extract_strided_slice %sub3A {offsets = [0, 28], sizes = [1024, 1], strides = [1, 1]} : vector<1024x40xi32> to vector<1024x1xi32>
    %broadcast_in_dim3A_234 = vector.shape_cast %slice3A_233 : vector<1024x1xi32> to vector<1024x1xi32>
    %broadcast_in_dim3A_235 = vector.broadcast %broadcast_in_dim3A_234 : vector<1024x1xi32> to vector<1024x32xi32>
    %select_n3A_236 = arith.select %eq3A_232, %broadcast_in_dim3A_235, %select_n3A_229 : vector<1024x32xi1>, vector<1024x32xi32>
    %eq3A_237 = arith.constant 29 : i32
    %eq3A_238 = vector.broadcast %eq3A_237 : i32 to vector<1024x32xi32>
    %eq3A_239 = arith.cmpi eq, %shift_right_arithmetic3A_32, %eq3A_238 : vector<1024x32xi32>
    %slice3A_240 = vector.extract_strided_slice %sub3A {offsets = [0, 29], sizes = [1024, 1], strides = [1, 1]} : vector<1024x40xi32> to vector<1024x1xi32>
    %broadcast_in_dim3A_241 = vector.shape_cast %slice3A_240 : vector<1024x1xi32> to vector<1024x1xi32>
    %broadcast_in_dim3A_242 = vector.broadcast %broadcast_in_dim3A_241 : vector<1024x1xi32> to vector<1024x32xi32>
    %select_n3A_243 = arith.select %eq3A_239, %broadcast_in_dim3A_242, %select_n3A_236 : vector<1024x32xi1>, vector<1024x32xi32>
    %eq3A_244 = arith.constant 30 : i32
    %eq3A_245 = vector.broadcast %eq3A_244 : i32 to vector<1024x32xi32>
    %eq3A_246 = arith.cmpi eq, %shift_right_arithmetic3A_32, %eq3A_245 : vector<1024x32xi32>
    %slice3A_247 = vector.extract_strided_slice %sub3A {offsets = [0, 30], sizes = [1024, 1], strides = [1, 1]} : vector<1024x40xi32> to vector<1024x1xi32>
    %broadcast_in_dim3A_248 = vector.shape_cast %slice3A_247 : vector<1024x1xi32> to vector<1024x1xi32>
    %broadcast_in_dim3A_249 = vector.broadcast %broadcast_in_dim3A_248 : vector<1024x1xi32> to vector<1024x32xi32>
    %select_n3A_250 = arith.select %eq3A_246, %broadcast_in_dim3A_249, %select_n3A_243 : vector<1024x32xi1>, vector<1024x32xi32>
    %eq3A_251 = arith.constant 31 : i32
    %eq3A_252 = vector.broadcast %eq3A_251 : i32 to vector<1024x32xi32>
    %eq3A_253 = arith.cmpi eq, %shift_right_arithmetic3A_32, %eq3A_252 : vector<1024x32xi32>
    %slice3A_254 = vector.extract_strided_slice %sub3A {offsets = [0, 31], sizes = [1024, 1], strides = [1, 1]} : vector<1024x40xi32> to vector<1024x1xi32>
    %broadcast_in_dim3A_255 = vector.shape_cast %slice3A_254 : vector<1024x1xi32> to vector<1024x1xi32>
    %broadcast_in_dim3A_256 = vector.broadcast %broadcast_in_dim3A_255 : vector<1024x1xi32> to vector<1024x32xi32>
    %select_n3A_257 = arith.select %eq3A_253, %broadcast_in_dim3A_256, %select_n3A_250 : vector<1024x32xi1>, vector<1024x32xi32>
    %eq3A_258 = arith.constant 32 : i32
    %eq3A_259 = vector.broadcast %eq3A_258 : i32 to vector<1024x32xi32>
    %eq3A_260 = arith.cmpi eq, %shift_right_arithmetic3A_32, %eq3A_259 : vector<1024x32xi32>
    %slice3A_261 = vector.extract_strided_slice %sub3A {offsets = [0, 32], sizes = [1024, 1], strides = [1, 1]} : vector<1024x40xi32> to vector<1024x1xi32>
    %broadcast_in_dim3A_262 = vector.shape_cast %slice3A_261 : vector<1024x1xi32> to vector<1024x1xi32>
    %broadcast_in_dim3A_263 = vector.broadcast %broadcast_in_dim3A_262 : vector<1024x1xi32> to vector<1024x32xi32>
    %select_n3A_264 = arith.select %eq3A_260, %broadcast_in_dim3A_263, %select_n3A_257 : vector<1024x32xi1>, vector<1024x32xi32>
    %eq3A_265 = arith.constant 33 : i32
    %eq3A_266 = vector.broadcast %eq3A_265 : i32 to vector<1024x32xi32>
    %eq3A_267 = arith.cmpi eq, %shift_right_arithmetic3A_32, %eq3A_266 : vector<1024x32xi32>
    %slice3A_268 = vector.extract_strided_slice %sub3A {offsets = [0, 33], sizes = [1024, 1], strides = [1, 1]} : vector<1024x40xi32> to vector<1024x1xi32>
    %broadcast_in_dim3A_269 = vector.shape_cast %slice3A_268 : vector<1024x1xi32> to vector<1024x1xi32>
    %broadcast_in_dim3A_270 = vector.broadcast %broadcast_in_dim3A_269 : vector<1024x1xi32> to vector<1024x32xi32>
    %select_n3A_271 = arith.select %eq3A_267, %broadcast_in_dim3A_270, %select_n3A_264 : vector<1024x32xi1>, vector<1024x32xi32>
    %eq3A_272 = arith.constant 34 : i32
    %eq3A_273 = vector.broadcast %eq3A_272 : i32 to vector<1024x32xi32>
    %eq3A_274 = arith.cmpi eq, %shift_right_arithmetic3A_32, %eq3A_273 : vector<1024x32xi32>
    %slice3A_275 = vector.extract_strided_slice %sub3A {offsets = [0, 34], sizes = [1024, 1], strides = [1, 1]} : vector<1024x40xi32> to vector<1024x1xi32>
    %broadcast_in_dim3A_276 = vector.shape_cast %slice3A_275 : vector<1024x1xi32> to vector<1024x1xi32>
    %broadcast_in_dim3A_277 = vector.broadcast %broadcast_in_dim3A_276 : vector<1024x1xi32> to vector<1024x32xi32>
    %select_n3A_278 = arith.select %eq3A_274, %broadcast_in_dim3A_277, %select_n3A_271 : vector<1024x32xi1>, vector<1024x32xi32>
    %eq3A_279 = arith.constant 35 : i32
    %eq3A_280 = vector.broadcast %eq3A_279 : i32 to vector<1024x32xi32>
    %eq3A_281 = arith.cmpi eq, %shift_right_arithmetic3A_32, %eq3A_280 : vector<1024x32xi32>
    %slice3A_282 = vector.extract_strided_slice %sub3A {offsets = [0, 35], sizes = [1024, 1], strides = [1, 1]} : vector<1024x40xi32> to vector<1024x1xi32>
    %broadcast_in_dim3A_283 = vector.shape_cast %slice3A_282 : vector<1024x1xi32> to vector<1024x1xi32>
    %broadcast_in_dim3A_284 = vector.broadcast %broadcast_in_dim3A_283 : vector<1024x1xi32> to vector<1024x32xi32>
    %select_n3A_285 = arith.select %eq3A_281, %broadcast_in_dim3A_284, %select_n3A_278 : vector<1024x32xi1>, vector<1024x32xi32>
    %eq3A_286 = arith.constant 36 : i32
    %eq3A_287 = vector.broadcast %eq3A_286 : i32 to vector<1024x32xi32>
    %eq3A_288 = arith.cmpi eq, %shift_right_arithmetic3A_32, %eq3A_287 : vector<1024x32xi32>
    %slice3A_289 = vector.extract_strided_slice %sub3A {offsets = [0, 36], sizes = [1024, 1], strides = [1, 1]} : vector<1024x40xi32> to vector<1024x1xi32>
    %broadcast_in_dim3A_290 = vector.shape_cast %slice3A_289 : vector<1024x1xi32> to vector<1024x1xi32>
    %broadcast_in_dim3A_291 = vector.broadcast %broadcast_in_dim3A_290 : vector<1024x1xi32> to vector<1024x32xi32>
    %select_n3A_292 = arith.select %eq3A_288, %broadcast_in_dim3A_291, %select_n3A_285 : vector<1024x32xi1>, vector<1024x32xi32>
    %eq3A_293 = arith.constant 37 : i32
    %eq3A_294 = vector.broadcast %eq3A_293 : i32 to vector<1024x32xi32>
    %eq3A_295 = arith.cmpi eq, %shift_right_arithmetic3A_32, %eq3A_294 : vector<1024x32xi32>
    %slice3A_296 = vector.extract_strided_slice %sub3A {offsets = [0, 37], sizes = [1024, 1], strides = [1, 1]} : vector<1024x40xi32> to vector<1024x1xi32>
    %broadcast_in_dim3A_297 = vector.shape_cast %slice3A_296 : vector<1024x1xi32> to vector<1024x1xi32>
    %broadcast_in_dim3A_298 = vector.broadcast %broadcast_in_dim3A_297 : vector<1024x1xi32> to vector<1024x32xi32>
    %select_n3A_299 = arith.select %eq3A_295, %broadcast_in_dim3A_298, %select_n3A_292 : vector<1024x32xi1>, vector<1024x32xi32>
    %eq3A_300 = arith.constant 38 : i32
    %eq3A_301 = vector.broadcast %eq3A_300 : i32 to vector<1024x32xi32>
    %eq3A_302 = arith.cmpi eq, %shift_right_arithmetic3A_32, %eq3A_301 : vector<1024x32xi32>
    %slice3A_303 = vector.extract_strided_slice %sub3A {offsets = [0, 38], sizes = [1024, 1], strides = [1, 1]} : vector<1024x40xi32> to vector<1024x1xi32>
    %broadcast_in_dim3A_304 = vector.shape_cast %slice3A_303 : vector<1024x1xi32> to vector<1024x1xi32>
    %broadcast_in_dim3A_305 = vector.broadcast %broadcast_in_dim3A_304 : vector<1024x1xi32> to vector<1024x32xi32>
    %select_n3A_306 = arith.select %eq3A_302, %broadcast_in_dim3A_305, %select_n3A_299 : vector<1024x32xi1>, vector<1024x32xi32>
    %eq3A_307 = arith.constant 39 : i32
    %eq3A_308 = vector.broadcast %eq3A_307 : i32 to vector<1024x32xi32>
    %eq3A_309 = arith.cmpi eq, %shift_right_arithmetic3A_32, %eq3A_308 : vector<1024x32xi32>
    %slice3A_310 = vector.extract_strided_slice %sub3A {offsets = [0, 39], sizes = [1024, 1], strides = [1, 1]} : vector<1024x40xi32> to vector<1024x1xi32>
    %broadcast_in_dim3A_311 = vector.shape_cast %slice3A_310 : vector<1024x1xi32> to vector<1024x1xi32>
    %broadcast_in_dim3A_312 = vector.broadcast %broadcast_in_dim3A_311 : vector<1024x1xi32> to vector<1024x32xi32>
    %select_n3A_313 = arith.select %eq3A_309, %broadcast_in_dim3A_312, %select_n3A_306 : vector<1024x32xi1>, vector<1024x32xi32>
    %mul3A_314 = arith.constant 64 : i32
    %mul3A_315 = vector.broadcast %mul3A_314 : i32 to vector<1024x32xi32>
    %mul3A_316 = arith.muli %select_n3A_313, %mul3A_315 : vector<1024x32xi32>
    %add3A = arith.addi %mul3A_316, %and3A_34 : vector<1024x32xi32>
    %get3A_317 = arith.constant 0 : index
    %get3A_318 = arith.constant 0 : index
    %get3A_319 = vector.load %arg3[%get3A_317, %get3A_318] : memref<1024x32xf32, #tpu.memory_space<vmem>>, vector<1024x32xf32>
    %add3A_320 = vector.broadcast %broadcast_in_dim3A_21 : vector<1024x1xf32> to vector<1024x32xf32>
    %add3A_321 = arith.addf %get3A_319, %add3A_320 : vector<1024x32xf32>
    %swap3A_322 = arith.constant 0 : index
    %swap3A_323 = arith.constant 0 : index
    %swap3A_324 = vector.load %arg3[%swap3A_322, %swap3A_323] : memref<1024x32xf32, #tpu.memory_space<vmem>>, vector<1024x32xf32>
    tpu.vector_store %arg3[%swap3A_322, %swap3A_323], %add3A_321 {strides = array<i32>} : memref<1024x32xf32, #tpu.memory_space<vmem>>, vector<1024x32xf32>,
    %shift_right_arithmetic3A_325 = arith.constant 4 : i32
    %shift_right_arithmetic3A_326 = vector.broadcast %shift_right_arithmetic3A_325 : i32 to vector<1024x32xi32>
    %shift_right_arithmetic3A_327 = arith.shrsi %add3A, %shift_right_arithmetic3A_326 : vector<1024x32xi32>
    %swap3A_328 = arith.constant 0 : index
    %swap3A_329 = arith.constant 0 : index
    %swap3A_330 = vector.load %arg4[%swap3A_328, %swap3A_329] : memref<1024x32xi32, #tpu.memory_space<vmem>>, vector<1024x32xi32>
    tpu.vector_store %arg4[%swap3A_328, %swap3A_329], %shift_right_arithmetic3A_327 {strides = array<i32>} : memref<1024x32xi32, #tpu.memory_space<vmem>>, vector<1024x32xi32>,
    %and3A_331 = arith.constant 15 : i32
    %and3A_332 = vector.broadcast %and3A_331 : i32 to vector<1024x32xi32>
    %and3A_333 = arith.andi %add3A, %and3A_332 : vector<1024x32xi32>
    %swap3A_334 = arith.constant 0 : index
    %swap3A_335 = arith.constant 0 : index
    %swap3A_336 = vector.load %arg5[%swap3A_334, %swap3A_335] : memref<1024x32xi32, #tpu.memory_space<vmem>>, vector<1024x32xi32>
    tpu.vector_store %arg5[%swap3A_334, %swap3A_335], %and3A_333 {strides = array<i32>} : memref<1024x32xi32, #tpu.memory_space<vmem>>, vector<1024x32xi32>,
    return
  }
}

module attributes {stable_mosaic.version = 14 : i64} {
  func.func @_k6_body(%arg0: memref<1024x32xf32, #tpu.memory_space<vmem>>, %arg1: memref<1024x512xf32, #tpu.memory_space<vmem>>, %arg2: memref<1024x32xi32, #tpu.memory_space<vmem>>, %arg3: memref<1024x1xf32, #tpu.memory_space<vmem>>) attributes {dimension_semantics = [], scalar_prefetch = 0 : i64, scratch_operands = 0 : i64, tpu.core_type = #tpu.core_type<tc>} {
    %get3A = arith.constant 0 : index
    %get3A_0 = arith.constant 0 : index
    %get3A_1 = vector.load %arg0[%get3A, %get3A_0] : memref<1024x32xf32, #tpu.memory_space<vmem>>, vector<1024x32xf32>
    %get3A_2 = arith.constant 0 : index
    %get3A_3 = arith.constant 0 : index
    %get3A_4 = vector.load %arg1[%get3A_2, %get3A_3] : memref<1024x512xf32, #tpu.memory_space<vmem>>, vector<1024x512xf32>
    %get3A_5 = arith.constant 0 : index
    %get3A_6 = arith.constant 0 : index
    %get3A_7 = vector.load %arg2[%get3A_5, %get3A_6] : memref<1024x32xi32, #tpu.memory_space<vmem>>, vector<1024x32xi32>
    %iota3A = tpu.iota {dimensions = array<i32: 1>} : vector<1024x16xi32>
    %slice3A = vector.extract_strided_slice %get3A_4 {offsets = [0, 0], sizes = [1024, 16], strides = [1, 1]} : vector<1024x512xf32> to vector<1024x16xf32>
    %slice3A_8 = vector.extract_strided_slice %get3A_7 {offsets = [0, 0], sizes = [1024, 1], strides = [1, 1]} : vector<1024x32xi32> to vector<1024x1xi32>
    %eq3A = vector.broadcast %slice3A_8 : vector<1024x1xi32> to vector<1024x16xi32>
    %eq3A_9 = arith.cmpi eq, %iota3A, %eq3A : vector<1024x16xi32>
    %jit3A = arith.constant 0.000000e+00 : f32
    %broadcast_in_dim3A = vector.broadcast %jit3A : f32 to vector<1024x16xf32>
    %select_n3A = arith.select %eq3A_9, %slice3A, %broadcast_in_dim3A : vector<1024x16xi1>, vector<1024x16xf32>
    %reduce_sum3A = arith.constant dense<0.000000e+00> : vector<1024xf32>
    %reduce_sum3A_10 = vector.multi_reduction <add>, %select_n3A, %reduce_sum3A [1] : vector<1024x16xf32> to vector<1024xf32>
    %broadcast_in_dim3A_11 = vector.shape_cast %reduce_sum3A_10 : vector<1024xf32> to vector<1024x1xf32>
    %slice3A_12 = vector.extract_strided_slice %get3A_4 {offsets = [0, 16], sizes = [1024, 16], strides = [1, 1]} : vector<1024x512xf32> to vector<1024x16xf32>
    %slice3A_13 = vector.extract_strided_slice %get3A_7 {offsets = [0, 1], sizes = [1024, 1], strides = [1, 1]} : vector<1024x32xi32> to vector<1024x1xi32>
    %eq3A_14 = vector.broadcast %slice3A_13 : vector<1024x1xi32> to vector<1024x16xi32>
    %eq3A_15 = arith.cmpi eq, %iota3A, %eq3A_14 : vector<1024x16xi32>
    %jit3A_16 = arith.constant 0.000000e+00 : f32
    %broadcast_in_dim3A_17 = vector.broadcast %jit3A_16 : f32 to vector<1024x16xf32>
    %select_n3A_18 = arith.select %eq3A_15, %slice3A_12, %broadcast_in_dim3A_17 : vector<1024x16xi1>, vector<1024x16xf32>
    %reduce_sum3A_19 = arith.constant dense<0.000000e+00> : vector<1024xf32>
    %reduce_sum3A_20 = vector.multi_reduction <add>, %select_n3A_18, %reduce_sum3A_19 [1] : vector<1024x16xf32> to vector<1024xf32>
    %broadcast_in_dim3A_21 = vector.shape_cast %reduce_sum3A_20 : vector<1024xf32> to vector<1024x1xf32>
    %slice3A_22 = vector.extract_strided_slice %get3A_4 {offsets = [0, 32], sizes = [1024, 16], strides = [1, 1]} : vector<1024x512xf32> to vector<1024x16xf32>
    %slice3A_23 = vector.extract_strided_slice %get3A_7 {offsets = [0, 2], sizes = [1024, 1], strides = [1, 1]} : vector<1024x32xi32> to vector<1024x1xi32>
    %eq3A_24 = vector.broadcast %slice3A_23 : vector<1024x1xi32> to vector<1024x16xi32>
    %eq3A_25 = arith.cmpi eq, %iota3A, %eq3A_24 : vector<1024x16xi32>
    %jit3A_26 = arith.constant 0.000000e+00 : f32
    %broadcast_in_dim3A_27 = vector.broadcast %jit3A_26 : f32 to vector<1024x16xf32>
    %select_n3A_28 = arith.select %eq3A_25, %slice3A_22, %broadcast_in_dim3A_27 : vector<1024x16xi1>, vector<1024x16xf32>
    %reduce_sum3A_29 = arith.constant dense<0.000000e+00> : vector<1024xf32>
    %reduce_sum3A_30 = vector.multi_reduction <add>, %select_n3A_28, %reduce_sum3A_29 [1] : vector<1024x16xf32> to vector<1024xf32>
    %broadcast_in_dim3A_31 = vector.shape_cast %reduce_sum3A_30 : vector<1024xf32> to vector<1024x1xf32>
    %slice3A_32 = vector.extract_strided_slice %get3A_4 {offsets = [0, 48], sizes = [1024, 16], strides = [1, 1]} : vector<1024x512xf32> to vector<1024x16xf32>
    %slice3A_33 = vector.extract_strided_slice %get3A_7 {offsets = [0, 3], sizes = [1024, 1], strides = [1, 1]} : vector<1024x32xi32> to vector<1024x1xi32>
    %eq3A_34 = vector.broadcast %slice3A_33 : vector<1024x1xi32> to vector<1024x16xi32>
    %eq3A_35 = arith.cmpi eq, %iota3A, %eq3A_34 : vector<1024x16xi32>
    %jit3A_36 = arith.constant 0.000000e+00 : f32
    %broadcast_in_dim3A_37 = vector.broadcast %jit3A_36 : f32 to vector<1024x16xf32>
    %select_n3A_38 = arith.select %eq3A_35, %slice3A_32, %broadcast_in_dim3A_37 : vector<1024x16xi1>, vector<1024x16xf32>
    %reduce_sum3A_39 = arith.constant dense<0.000000e+00> : vector<1024xf32>
    %reduce_sum3A_40 = vector.multi_reduction <add>, %select_n3A_38, %reduce_sum3A_39 [1] : vector<1024x16xf32> to vector<1024xf32>
    %broadcast_in_dim3A_41 = vector.shape_cast %reduce_sum3A_40 : vector<1024xf32> to vector<1024x1xf32>
    %slice3A_42 = vector.extract_strided_slice %get3A_4 {offsets = [0, 64], sizes = [1024, 16], strides = [1, 1]} : vector<1024x512xf32> to vector<1024x16xf32>
    %slice3A_43 = vector.extract_strided_slice %get3A_7 {offsets = [0, 4], sizes = [1024, 1], strides = [1, 1]} : vector<1024x32xi32> to vector<1024x1xi32>
    %eq3A_44 = vector.broadcast %slice3A_43 : vector<1024x1xi32> to vector<1024x16xi32>
    %eq3A_45 = arith.cmpi eq, %iota3A, %eq3A_44 : vector<1024x16xi32>
    %jit3A_46 = arith.constant 0.000000e+00 : f32
    %broadcast_in_dim3A_47 = vector.broadcast %jit3A_46 : f32 to vector<1024x16xf32>
    %select_n3A_48 = arith.select %eq3A_45, %slice3A_42, %broadcast_in_dim3A_47 : vector<1024x16xi1>, vector<1024x16xf32>
    %reduce_sum3A_49 = arith.constant dense<0.000000e+00> : vector<1024xf32>
    %reduce_sum3A_50 = vector.multi_reduction <add>, %select_n3A_48, %reduce_sum3A_49 [1] : vector<1024x16xf32> to vector<1024xf32>
    %broadcast_in_dim3A_51 = vector.shape_cast %reduce_sum3A_50 : vector<1024xf32> to vector<1024x1xf32>
    %slice3A_52 = vector.extract_strided_slice %get3A_4 {offsets = [0, 80], sizes = [1024, 16], strides = [1, 1]} : vector<1024x512xf32> to vector<1024x16xf32>
    %slice3A_53 = vector.extract_strided_slice %get3A_7 {offsets = [0, 5], sizes = [1024, 1], strides = [1, 1]} : vector<1024x32xi32> to vector<1024x1xi32>
    %eq3A_54 = vector.broadcast %slice3A_53 : vector<1024x1xi32> to vector<1024x16xi32>
    %eq3A_55 = arith.cmpi eq, %iota3A, %eq3A_54 : vector<1024x16xi32>
    %jit3A_56 = arith.constant 0.000000e+00 : f32
    %broadcast_in_dim3A_57 = vector.broadcast %jit3A_56 : f32 to vector<1024x16xf32>
    %select_n3A_58 = arith.select %eq3A_55, %slice3A_52, %broadcast_in_dim3A_57 : vector<1024x16xi1>, vector<1024x16xf32>
    %reduce_sum3A_59 = arith.constant dense<0.000000e+00> : vector<1024xf32>
    %reduce_sum3A_60 = vector.multi_reduction <add>, %select_n3A_58, %reduce_sum3A_59 [1] : vector<1024x16xf32> to vector<1024xf32>
    %broadcast_in_dim3A_61 = vector.shape_cast %reduce_sum3A_60 : vector<1024xf32> to vector<1024x1xf32>
    %slice3A_62 = vector.extract_strided_slice %get3A_4 {offsets = [0, 96], sizes = [1024, 16], strides = [1, 1]} : vector<1024x512xf32> to vector<1024x16xf32>
    %slice3A_63 = vector.extract_strided_slice %get3A_7 {offsets = [0, 6], sizes = [1024, 1], strides = [1, 1]} : vector<1024x32xi32> to vector<1024x1xi32>
    %eq3A_64 = vector.broadcast %slice3A_63 : vector<1024x1xi32> to vector<1024x16xi32>
    %eq3A_65 = arith.cmpi eq, %iota3A, %eq3A_64 : vector<1024x16xi32>
    %jit3A_66 = arith.constant 0.000000e+00 : f32
    %broadcast_in_dim3A_67 = vector.broadcast %jit3A_66 : f32 to vector<1024x16xf32>
    %select_n3A_68 = arith.select %eq3A_65, %slice3A_62, %broadcast_in_dim3A_67 : vector<1024x16xi1>, vector<1024x16xf32>
    %reduce_sum3A_69 = arith.constant dense<0.000000e+00> : vector<1024xf32>
    %reduce_sum3A_70 = vector.multi_reduction <add>, %select_n3A_68, %reduce_sum3A_69 [1] : vector<1024x16xf32> to vector<1024xf32>
    %broadcast_in_dim3A_71 = vector.shape_cast %reduce_sum3A_70 : vector<1024xf32> to vector<1024x1xf32>
    %slice3A_72 = vector.extract_strided_slice %get3A_4 {offsets = [0, 112], sizes = [1024, 16], strides = [1, 1]} : vector<1024x512xf32> to vector<1024x16xf32>
    %slice3A_73 = vector.extract_strided_slice %get3A_7 {offsets = [0, 7], sizes = [1024, 1], strides = [1, 1]} : vector<1024x32xi32> to vector<1024x1xi32>
    %eq3A_74 = vector.broadcast %slice3A_73 : vector<1024x1xi32> to vector<1024x16xi32>
    %eq3A_75 = arith.cmpi eq, %iota3A, %eq3A_74 : vector<1024x16xi32>
    %jit3A_76 = arith.constant 0.000000e+00 : f32
    %broadcast_in_dim3A_77 = vector.broadcast %jit3A_76 : f32 to vector<1024x16xf32>
    %select_n3A_78 = arith.select %eq3A_75, %slice3A_72, %broadcast_in_dim3A_77 : vector<1024x16xi1>, vector<1024x16xf32>
    %reduce_sum3A_79 = arith.constant dense<0.000000e+00> : vector<1024xf32>
    %reduce_sum3A_80 = vector.multi_reduction <add>, %select_n3A_78, %reduce_sum3A_79 [1] : vector<1024x16xf32> to vector<1024xf32>
    %broadcast_in_dim3A_81 = vector.shape_cast %reduce_sum3A_80 : vector<1024xf32> to vector<1024x1xf32>
    %slice3A_82 = vector.extract_strided_slice %get3A_4 {offsets = [0, 128], sizes = [1024, 16], strides = [1, 1]} : vector<1024x512xf32> to vector<1024x16xf32>
    %slice3A_83 = vector.extract_strided_slice %get3A_7 {offsets = [0, 8], sizes = [1024, 1], strides = [1, 1]} : vector<1024x32xi32> to vector<1024x1xi32>
    %eq3A_84 = vector.broadcast %slice3A_83 : vector<1024x1xi32> to vector<1024x16xi32>
    %eq3A_85 = arith.cmpi eq, %iota3A, %eq3A_84 : vector<1024x16xi32>
    %jit3A_86 = arith.constant 0.000000e+00 : f32
    %broadcast_in_dim3A_87 = vector.broadcast %jit3A_86 : f32 to vector<1024x16xf32>
    %select_n3A_88 = arith.select %eq3A_85, %slice3A_82, %broadcast_in_dim3A_87 : vector<1024x16xi1>, vector<1024x16xf32>
    %reduce_sum3A_89 = arith.constant dense<0.000000e+00> : vector<1024xf32>
    %reduce_sum3A_90 = vector.multi_reduction <add>, %select_n3A_88, %reduce_sum3A_89 [1] : vector<1024x16xf32> to vector<1024xf32>
    %broadcast_in_dim3A_91 = vector.shape_cast %reduce_sum3A_90 : vector<1024xf32> to vector<1024x1xf32>
    %slice3A_92 = vector.extract_strided_slice %get3A_4 {offsets = [0, 144], sizes = [1024, 16], strides = [1, 1]} : vector<1024x512xf32> to vector<1024x16xf32>
    %slice3A_93 = vector.extract_strided_slice %get3A_7 {offsets = [0, 9], sizes = [1024, 1], strides = [1, 1]} : vector<1024x32xi32> to vector<1024x1xi32>
    %eq3A_94 = vector.broadcast %slice3A_93 : vector<1024x1xi32> to vector<1024x16xi32>
    %eq3A_95 = arith.cmpi eq, %iota3A, %eq3A_94 : vector<1024x16xi32>
    %jit3A_96 = arith.constant 0.000000e+00 : f32
    %broadcast_in_dim3A_97 = vector.broadcast %jit3A_96 : f32 to vector<1024x16xf32>
    %select_n3A_98 = arith.select %eq3A_95, %slice3A_92, %broadcast_in_dim3A_97 : vector<1024x16xi1>, vector<1024x16xf32>
    %reduce_sum3A_99 = arith.constant dense<0.000000e+00> : vector<1024xf32>
    %reduce_sum3A_100 = vector.multi_reduction <add>, %select_n3A_98, %reduce_sum3A_99 [1] : vector<1024x16xf32> to vector<1024xf32>
    %broadcast_in_dim3A_101 = vector.shape_cast %reduce_sum3A_100 : vector<1024xf32> to vector<1024x1xf32>
    %slice3A_102 = vector.extract_strided_slice %get3A_4 {offsets = [0, 160], sizes = [1024, 16], strides = [1, 1]} : vector<1024x512xf32> to vector<1024x16xf32>
    %slice3A_103 = vector.extract_strided_slice %get3A_7 {offsets = [0, 10], sizes = [1024, 1], strides = [1, 1]} : vector<1024x32xi32> to vector<1024x1xi32>
    %eq3A_104 = vector.broadcast %slice3A_103 : vector<1024x1xi32> to vector<1024x16xi32>
    %eq3A_105 = arith.cmpi eq, %iota3A, %eq3A_104 : vector<1024x16xi32>
    %jit3A_106 = arith.constant 0.000000e+00 : f32
    %broadcast_in_dim3A_107 = vector.broadcast %jit3A_106 : f32 to vector<1024x16xf32>
    %select_n3A_108 = arith.select %eq3A_105, %slice3A_102, %broadcast_in_dim3A_107 : vector<1024x16xi1>, vector<1024x16xf32>
    %reduce_sum3A_109 = arith.constant dense<0.000000e+00> : vector<1024xf32>
    %reduce_sum3A_110 = vector.multi_reduction <add>, %select_n3A_108, %reduce_sum3A_109 [1] : vector<1024x16xf32> to vector<1024xf32>
    %broadcast_in_dim3A_111 = vector.shape_cast %reduce_sum3A_110 : vector<1024xf32> to vector<1024x1xf32>
    %slice3A_112 = vector.extract_strided_slice %get3A_4 {offsets = [0, 176], sizes = [1024, 16], strides = [1, 1]} : vector<1024x512xf32> to vector<1024x16xf32>
    %slice3A_113 = vector.extract_strided_slice %get3A_7 {offsets = [0, 11], sizes = [1024, 1], strides = [1, 1]} : vector<1024x32xi32> to vector<1024x1xi32>
    %eq3A_114 = vector.broadcast %slice3A_113 : vector<1024x1xi32> to vector<1024x16xi32>
    %eq3A_115 = arith.cmpi eq, %iota3A, %eq3A_114 : vector<1024x16xi32>
    %jit3A_116 = arith.constant 0.000000e+00 : f32
    %broadcast_in_dim3A_117 = vector.broadcast %jit3A_116 : f32 to vector<1024x16xf32>
    %select_n3A_118 = arith.select %eq3A_115, %slice3A_112, %broadcast_in_dim3A_117 : vector<1024x16xi1>, vector<1024x16xf32>
    %reduce_sum3A_119 = arith.constant dense<0.000000e+00> : vector<1024xf32>
    %reduce_sum3A_120 = vector.multi_reduction <add>, %select_n3A_118, %reduce_sum3A_119 [1] : vector<1024x16xf32> to vector<1024xf32>
    %broadcast_in_dim3A_121 = vector.shape_cast %reduce_sum3A_120 : vector<1024xf32> to vector<1024x1xf32>
    %slice3A_122 = vector.extract_strided_slice %get3A_4 {offsets = [0, 192], sizes = [1024, 16], strides = [1, 1]} : vector<1024x512xf32> to vector<1024x16xf32>
    %slice3A_123 = vector.extract_strided_slice %get3A_7 {offsets = [0, 12], sizes = [1024, 1], strides = [1, 1]} : vector<1024x32xi32> to vector<1024x1xi32>
    %eq3A_124 = vector.broadcast %slice3A_123 : vector<1024x1xi32> to vector<1024x16xi32>
    %eq3A_125 = arith.cmpi eq, %iota3A, %eq3A_124 : vector<1024x16xi32>
    %jit3A_126 = arith.constant 0.000000e+00 : f32
    %broadcast_in_dim3A_127 = vector.broadcast %jit3A_126 : f32 to vector<1024x16xf32>
    %select_n3A_128 = arith.select %eq3A_125, %slice3A_122, %broadcast_in_dim3A_127 : vector<1024x16xi1>, vector<1024x16xf32>
    %reduce_sum3A_129 = arith.constant dense<0.000000e+00> : vector<1024xf32>
    %reduce_sum3A_130 = vector.multi_reduction <add>, %select_n3A_128, %reduce_sum3A_129 [1] : vector<1024x16xf32> to vector<1024xf32>
    %broadcast_in_dim3A_131 = vector.shape_cast %reduce_sum3A_130 : vector<1024xf32> to vector<1024x1xf32>
    %slice3A_132 = vector.extract_strided_slice %get3A_4 {offsets = [0, 208], sizes = [1024, 16], strides = [1, 1]} : vector<1024x512xf32> to vector<1024x16xf32>
    %slice3A_133 = vector.extract_strided_slice %get3A_7 {offsets = [0, 13], sizes = [1024, 1], strides = [1, 1]} : vector<1024x32xi32> to vector<1024x1xi32>
    %eq3A_134 = vector.broadcast %slice3A_133 : vector<1024x1xi32> to vector<1024x16xi32>
    %eq3A_135 = arith.cmpi eq, %iota3A, %eq3A_134 : vector<1024x16xi32>
    %jit3A_136 = arith.constant 0.000000e+00 : f32
    %broadcast_in_dim3A_137 = vector.broadcast %jit3A_136 : f32 to vector<1024x16xf32>
    %select_n3A_138 = arith.select %eq3A_135, %slice3A_132, %broadcast_in_dim3A_137 : vector<1024x16xi1>, vector<1024x16xf32>
    %reduce_sum3A_139 = arith.constant dense<0.000000e+00> : vector<1024xf32>
    %reduce_sum3A_140 = vector.multi_reduction <add>, %select_n3A_138, %reduce_sum3A_139 [1] : vector<1024x16xf32> to vector<1024xf32>
    %broadcast_in_dim3A_141 = vector.shape_cast %reduce_sum3A_140 : vector<1024xf32> to vector<1024x1xf32>
    %slice3A_142 = vector.extract_strided_slice %get3A_4 {offsets = [0, 224], sizes = [1024, 16], strides = [1, 1]} : vector<1024x512xf32> to vector<1024x16xf32>
    %slice3A_143 = vector.extract_strided_slice %get3A_7 {offsets = [0, 14], sizes = [1024, 1], strides = [1, 1]} : vector<1024x32xi32> to vector<1024x1xi32>
    %eq3A_144 = vector.broadcast %slice3A_143 : vector<1024x1xi32> to vector<1024x16xi32>
    %eq3A_145 = arith.cmpi eq, %iota3A, %eq3A_144 : vector<1024x16xi32>
    %jit3A_146 = arith.constant 0.000000e+00 : f32
    %broadcast_in_dim3A_147 = vector.broadcast %jit3A_146 : f32 to vector<1024x16xf32>
    %select_n3A_148 = arith.select %eq3A_145, %slice3A_142, %broadcast_in_dim3A_147 : vector<1024x16xi1>, vector<1024x16xf32>
    %reduce_sum3A_149 = arith.constant dense<0.000000e+00> : vector<1024xf32>
    %reduce_sum3A_150 = vector.multi_reduction <add>, %select_n3A_148, %reduce_sum3A_149 [1] : vector<1024x16xf32> to vector<1024xf32>
    %broadcast_in_dim3A_151 = vector.shape_cast %reduce_sum3A_150 : vector<1024xf32> to vector<1024x1xf32>
    %slice3A_152 = vector.extract_strided_slice %get3A_4 {offsets = [0, 240], sizes = [1024, 16], strides = [1, 1]} : vector<1024x512xf32> to vector<1024x16xf32>
    %slice3A_153 = vector.extract_strided_slice %get3A_7 {offsets = [0, 15], sizes = [1024, 1], strides = [1, 1]} : vector<1024x32xi32> to vector<1024x1xi32>
    %eq3A_154 = vector.broadcast %slice3A_153 : vector<1024x1xi32> to vector<1024x16xi32>
    %eq3A_155 = arith.cmpi eq, %iota3A, %eq3A_154 : vector<1024x16xi32>
    %jit3A_156 = arith.constant 0.000000e+00 : f32
    %broadcast_in_dim3A_157 = vector.broadcast %jit3A_156 : f32 to vector<1024x16xf32>
    %select_n3A_158 = arith.select %eq3A_155, %slice3A_152, %broadcast_in_dim3A_157 : vector<1024x16xi1>, vector<1024x16xf32>
    %reduce_sum3A_159 = arith.constant dense<0.000000e+00> : vector<1024xf32>
    %reduce_sum3A_160 = vector.multi_reduction <add>, %select_n3A_158, %reduce_sum3A_159 [1] : vector<1024x16xf32> to vector<1024xf32>
    %broadcast_in_dim3A_161 = vector.shape_cast %reduce_sum3A_160 : vector<1024xf32> to vector<1024x1xf32>
    %slice3A_162 = vector.extract_strided_slice %get3A_4 {offsets = [0, 256], sizes = [1024, 16], strides = [1, 1]} : vector<1024x512xf32> to vector<1024x16xf32>
    %slice3A_163 = vector.extract_strided_slice %get3A_7 {offsets = [0, 16], sizes = [1024, 1], strides = [1, 1]} : vector<1024x32xi32> to vector<1024x1xi32>
    %eq3A_164 = vector.broadcast %slice3A_163 : vector<1024x1xi32> to vector<1024x16xi32>
    %eq3A_165 = arith.cmpi eq, %iota3A, %eq3A_164 : vector<1024x16xi32>
    %jit3A_166 = arith.constant 0.000000e+00 : f32
    %broadcast_in_dim3A_167 = vector.broadcast %jit3A_166 : f32 to vector<1024x16xf32>
    %select_n3A_168 = arith.select %eq3A_165, %slice3A_162, %broadcast_in_dim3A_167 : vector<1024x16xi1>, vector<1024x16xf32>
    %reduce_sum3A_169 = arith.constant dense<0.000000e+00> : vector<1024xf32>
    %reduce_sum3A_170 = vector.multi_reduction <add>, %select_n3A_168, %reduce_sum3A_169 [1] : vector<1024x16xf32> to vector<1024xf32>
    %broadcast_in_dim3A_171 = vector.shape_cast %reduce_sum3A_170 : vector<1024xf32> to vector<1024x1xf32>
    %slice3A_172 = vector.extract_strided_slice %get3A_4 {offsets = [0, 272], sizes = [1024, 16], strides = [1, 1]} : vector<1024x512xf32> to vector<1024x16xf32>
    %slice3A_173 = vector.extract_strided_slice %get3A_7 {offsets = [0, 17], sizes = [1024, 1], strides = [1, 1]} : vector<1024x32xi32> to vector<1024x1xi32>
    %eq3A_174 = vector.broadcast %slice3A_173 : vector<1024x1xi32> to vector<1024x16xi32>
    %eq3A_175 = arith.cmpi eq, %iota3A, %eq3A_174 : vector<1024x16xi32>
    %jit3A_176 = arith.constant 0.000000e+00 : f32
    %broadcast_in_dim3A_177 = vector.broadcast %jit3A_176 : f32 to vector<1024x16xf32>
    %select_n3A_178 = arith.select %eq3A_175, %slice3A_172, %broadcast_in_dim3A_177 : vector<1024x16xi1>, vector<1024x16xf32>
    %reduce_sum3A_179 = arith.constant dense<0.000000e+00> : vector<1024xf32>
    %reduce_sum3A_180 = vector.multi_reduction <add>, %select_n3A_178, %reduce_sum3A_179 [1] : vector<1024x16xf32> to vector<1024xf32>
    %broadcast_in_dim3A_181 = vector.shape_cast %reduce_sum3A_180 : vector<1024xf32> to vector<1024x1xf32>
    %slice3A_182 = vector.extract_strided_slice %get3A_4 {offsets = [0, 288], sizes = [1024, 16], strides = [1, 1]} : vector<1024x512xf32> to vector<1024x16xf32>
    %slice3A_183 = vector.extract_strided_slice %get3A_7 {offsets = [0, 18], sizes = [1024, 1], strides = [1, 1]} : vector<1024x32xi32> to vector<1024x1xi32>
    %eq3A_184 = vector.broadcast %slice3A_183 : vector<1024x1xi32> to vector<1024x16xi32>
    %eq3A_185 = arith.cmpi eq, %iota3A, %eq3A_184 : vector<1024x16xi32>
    %jit3A_186 = arith.constant 0.000000e+00 : f32
    %broadcast_in_dim3A_187 = vector.broadcast %jit3A_186 : f32 to vector<1024x16xf32>
    %select_n3A_188 = arith.select %eq3A_185, %slice3A_182, %broadcast_in_dim3A_187 : vector<1024x16xi1>, vector<1024x16xf32>
    %reduce_sum3A_189 = arith.constant dense<0.000000e+00> : vector<1024xf32>
    %reduce_sum3A_190 = vector.multi_reduction <add>, %select_n3A_188, %reduce_sum3A_189 [1] : vector<1024x16xf32> to vector<1024xf32>
    %broadcast_in_dim3A_191 = vector.shape_cast %reduce_sum3A_190 : vector<1024xf32> to vector<1024x1xf32>
    %slice3A_192 = vector.extract_strided_slice %get3A_4 {offsets = [0, 304], sizes = [1024, 16], strides = [1, 1]} : vector<1024x512xf32> to vector<1024x16xf32>
    %slice3A_193 = vector.extract_strided_slice %get3A_7 {offsets = [0, 19], sizes = [1024, 1], strides = [1, 1]} : vector<1024x32xi32> to vector<1024x1xi32>
    %eq3A_194 = vector.broadcast %slice3A_193 : vector<1024x1xi32> to vector<1024x16xi32>
    %eq3A_195 = arith.cmpi eq, %iota3A, %eq3A_194 : vector<1024x16xi32>
    %jit3A_196 = arith.constant 0.000000e+00 : f32
    %broadcast_in_dim3A_197 = vector.broadcast %jit3A_196 : f32 to vector<1024x16xf32>
    %select_n3A_198 = arith.select %eq3A_195, %slice3A_192, %broadcast_in_dim3A_197 : vector<1024x16xi1>, vector<1024x16xf32>
    %reduce_sum3A_199 = arith.constant dense<0.000000e+00> : vector<1024xf32>
    %reduce_sum3A_200 = vector.multi_reduction <add>, %select_n3A_198, %reduce_sum3A_199 [1] : vector<1024x16xf32> to vector<1024xf32>
    %broadcast_in_dim3A_201 = vector.shape_cast %reduce_sum3A_200 : vector<1024xf32> to vector<1024x1xf32>
    %slice3A_202 = vector.extract_strided_slice %get3A_4 {offsets = [0, 320], sizes = [1024, 16], strides = [1, 1]} : vector<1024x512xf32> to vector<1024x16xf32>
    %slice3A_203 = vector.extract_strided_slice %get3A_7 {offsets = [0, 20], sizes = [1024, 1], strides = [1, 1]} : vector<1024x32xi32> to vector<1024x1xi32>
    %eq3A_204 = vector.broadcast %slice3A_203 : vector<1024x1xi32> to vector<1024x16xi32>
    %eq3A_205 = arith.cmpi eq, %iota3A, %eq3A_204 : vector<1024x16xi32>
    %jit3A_206 = arith.constant 0.000000e+00 : f32
    %broadcast_in_dim3A_207 = vector.broadcast %jit3A_206 : f32 to vector<1024x16xf32>
    %select_n3A_208 = arith.select %eq3A_205, %slice3A_202, %broadcast_in_dim3A_207 : vector<1024x16xi1>, vector<1024x16xf32>
    %reduce_sum3A_209 = arith.constant dense<0.000000e+00> : vector<1024xf32>
    %reduce_sum3A_210 = vector.multi_reduction <add>, %select_n3A_208, %reduce_sum3A_209 [1] : vector<1024x16xf32> to vector<1024xf32>
    %broadcast_in_dim3A_211 = vector.shape_cast %reduce_sum3A_210 : vector<1024xf32> to vector<1024x1xf32>
    %slice3A_212 = vector.extract_strided_slice %get3A_4 {offsets = [0, 336], sizes = [1024, 16], strides = [1, 1]} : vector<1024x512xf32> to vector<1024x16xf32>
    %slice3A_213 = vector.extract_strided_slice %get3A_7 {offsets = [0, 21], sizes = [1024, 1], strides = [1, 1]} : vector<1024x32xi32> to vector<1024x1xi32>
    %eq3A_214 = vector.broadcast %slice3A_213 : vector<1024x1xi32> to vector<1024x16xi32>
    %eq3A_215 = arith.cmpi eq, %iota3A, %eq3A_214 : vector<1024x16xi32>
    %jit3A_216 = arith.constant 0.000000e+00 : f32
    %broadcast_in_dim3A_217 = vector.broadcast %jit3A_216 : f32 to vector<1024x16xf32>
    %select_n3A_218 = arith.select %eq3A_215, %slice3A_212, %broadcast_in_dim3A_217 : vector<1024x16xi1>, vector<1024x16xf32>
    %reduce_sum3A_219 = arith.constant dense<0.000000e+00> : vector<1024xf32>
    %reduce_sum3A_220 = vector.multi_reduction <add>, %select_n3A_218, %reduce_sum3A_219 [1] : vector<1024x16xf32> to vector<1024xf32>
    %broadcast_in_dim3A_221 = vector.shape_cast %reduce_sum3A_220 : vector<1024xf32> to vector<1024x1xf32>
    %slice3A_222 = vector.extract_strided_slice %get3A_4 {offsets = [0, 352], sizes = [1024, 16], strides = [1, 1]} : vector<1024x512xf32> to vector<1024x16xf32>
    %slice3A_223 = vector.extract_strided_slice %get3A_7 {offsets = [0, 22], sizes = [1024, 1], strides = [1, 1]} : vector<1024x32xi32> to vector<1024x1xi32>
    %eq3A_224 = vector.broadcast %slice3A_223 : vector<1024x1xi32> to vector<1024x16xi32>
    %eq3A_225 = arith.cmpi eq, %iota3A, %eq3A_224 : vector<1024x16xi32>
    %jit3A_226 = arith.constant 0.000000e+00 : f32
    %broadcast_in_dim3A_227 = vector.broadcast %jit3A_226 : f32 to vector<1024x16xf32>
    %select_n3A_228 = arith.select %eq3A_225, %slice3A_222, %broadcast_in_dim3A_227 : vector<1024x16xi1>, vector<1024x16xf32>
    %reduce_sum3A_229 = arith.constant dense<0.000000e+00> : vector<1024xf32>
    %reduce_sum3A_230 = vector.multi_reduction <add>, %select_n3A_228, %reduce_sum3A_229 [1] : vector<1024x16xf32> to vector<1024xf32>
    %broadcast_in_dim3A_231 = vector.shape_cast %reduce_sum3A_230 : vector<1024xf32> to vector<1024x1xf32>
    %slice3A_232 = vector.extract_strided_slice %get3A_4 {offsets = [0, 368], sizes = [1024, 16], strides = [1, 1]} : vector<1024x512xf32> to vector<1024x16xf32>
    %slice3A_233 = vector.extract_strided_slice %get3A_7 {offsets = [0, 23], sizes = [1024, 1], strides = [1, 1]} : vector<1024x32xi32> to vector<1024x1xi32>
    %eq3A_234 = vector.broadcast %slice3A_233 : vector<1024x1xi32> to vector<1024x16xi32>
    %eq3A_235 = arith.cmpi eq, %iota3A, %eq3A_234 : vector<1024x16xi32>
    %jit3A_236 = arith.constant 0.000000e+00 : f32
    %broadcast_in_dim3A_237 = vector.broadcast %jit3A_236 : f32 to vector<1024x16xf32>
    %select_n3A_238 = arith.select %eq3A_235, %slice3A_232, %broadcast_in_dim3A_237 : vector<1024x16xi1>, vector<1024x16xf32>
    %reduce_sum3A_239 = arith.constant dense<0.000000e+00> : vector<1024xf32>
    %reduce_sum3A_240 = vector.multi_reduction <add>, %select_n3A_238, %reduce_sum3A_239 [1] : vector<1024x16xf32> to vector<1024xf32>
    %broadcast_in_dim3A_241 = vector.shape_cast %reduce_sum3A_240 : vector<1024xf32> to vector<1024x1xf32>
    %slice3A_242 = vector.extract_strided_slice %get3A_4 {offsets = [0, 384], sizes = [1024, 16], strides = [1, 1]} : vector<1024x512xf32> to vector<1024x16xf32>
    %slice3A_243 = vector.extract_strided_slice %get3A_7 {offsets = [0, 24], sizes = [1024, 1], strides = [1, 1]} : vector<1024x32xi32> to vector<1024x1xi32>
    %eq3A_244 = vector.broadcast %slice3A_243 : vector<1024x1xi32> to vector<1024x16xi32>
    %eq3A_245 = arith.cmpi eq, %iota3A, %eq3A_244 : vector<1024x16xi32>
    %jit3A_246 = arith.constant 0.000000e+00 : f32
    %broadcast_in_dim3A_247 = vector.broadcast %jit3A_246 : f32 to vector<1024x16xf32>
    %select_n3A_248 = arith.select %eq3A_245, %slice3A_242, %broadcast_in_dim3A_247 : vector<1024x16xi1>, vector<1024x16xf32>
    %reduce_sum3A_249 = arith.constant dense<0.000000e+00> : vector<1024xf32>
    %reduce_sum3A_250 = vector.multi_reduction <add>, %select_n3A_248, %reduce_sum3A_249 [1] : vector<1024x16xf32> to vector<1024xf32>
    %broadcast_in_dim3A_251 = vector.shape_cast %reduce_sum3A_250 : vector<1024xf32> to vector<1024x1xf32>
    %slice3A_252 = vector.extract_strided_slice %get3A_4 {offsets = [0, 400], sizes = [1024, 16], strides = [1, 1]} : vector<1024x512xf32> to vector<1024x16xf32>
    %slice3A_253 = vector.extract_strided_slice %get3A_7 {offsets = [0, 25], sizes = [1024, 1], strides = [1, 1]} : vector<1024x32xi32> to vector<1024x1xi32>
    %eq3A_254 = vector.broadcast %slice3A_253 : vector<1024x1xi32> to vector<1024x16xi32>
    %eq3A_255 = arith.cmpi eq, %iota3A, %eq3A_254 : vector<1024x16xi32>
    %jit3A_256 = arith.constant 0.000000e+00 : f32
    %broadcast_in_dim3A_257 = vector.broadcast %jit3A_256 : f32 to vector<1024x16xf32>
    %select_n3A_258 = arith.select %eq3A_255, %slice3A_252, %broadcast_in_dim3A_257 : vector<1024x16xi1>, vector<1024x16xf32>
    %reduce_sum3A_259 = arith.constant dense<0.000000e+00> : vector<1024xf32>
    %reduce_sum3A_260 = vector.multi_reduction <add>, %select_n3A_258, %reduce_sum3A_259 [1] : vector<1024x16xf32> to vector<1024xf32>
    %broadcast_in_dim3A_261 = vector.shape_cast %reduce_sum3A_260 : vector<1024xf32> to vector<1024x1xf32>
    %slice3A_262 = vector.extract_strided_slice %get3A_4 {offsets = [0, 416], sizes = [1024, 16], strides = [1, 1]} : vector<1024x512xf32> to vector<1024x16xf32>
    %slice3A_263 = vector.extract_strided_slice %get3A_7 {offsets = [0, 26], sizes = [1024, 1], strides = [1, 1]} : vector<1024x32xi32> to vector<1024x1xi32>
    %eq3A_264 = vector.broadcast %slice3A_263 : vector<1024x1xi32> to vector<1024x16xi32>
    %eq3A_265 = arith.cmpi eq, %iota3A, %eq3A_264 : vector<1024x16xi32>
    %jit3A_266 = arith.constant 0.000000e+00 : f32
    %broadcast_in_dim3A_267 = vector.broadcast %jit3A_266 : f32 to vector<1024x16xf32>
    %select_n3A_268 = arith.select %eq3A_265, %slice3A_262, %broadcast_in_dim3A_267 : vector<1024x16xi1>, vector<1024x16xf32>
    %reduce_sum3A_269 = arith.constant dense<0.000000e+00> : vector<1024xf32>
    %reduce_sum3A_270 = vector.multi_reduction <add>, %select_n3A_268, %reduce_sum3A_269 [1] : vector<1024x16xf32> to vector<1024xf32>
    %broadcast_in_dim3A_271 = vector.shape_cast %reduce_sum3A_270 : vector<1024xf32> to vector<1024x1xf32>
    %slice3A_272 = vector.extract_strided_slice %get3A_4 {offsets = [0, 432], sizes = [1024, 16], strides = [1, 1]} : vector<1024x512xf32> to vector<1024x16xf32>
    %slice3A_273 = vector.extract_strided_slice %get3A_7 {offsets = [0, 27], sizes = [1024, 1], strides = [1, 1]} : vector<1024x32xi32> to vector<1024x1xi32>
    %eq3A_274 = vector.broadcast %slice3A_273 : vector<1024x1xi32> to vector<1024x16xi32>
    %eq3A_275 = arith.cmpi eq, %iota3A, %eq3A_274 : vector<1024x16xi32>
    %jit3A_276 = arith.constant 0.000000e+00 : f32
    %broadcast_in_dim3A_277 = vector.broadcast %jit3A_276 : f32 to vector<1024x16xf32>
    %select_n3A_278 = arith.select %eq3A_275, %slice3A_272, %broadcast_in_dim3A_277 : vector<1024x16xi1>, vector<1024x16xf32>
    %reduce_sum3A_279 = arith.constant dense<0.000000e+00> : vector<1024xf32>
    %reduce_sum3A_280 = vector.multi_reduction <add>, %select_n3A_278, %reduce_sum3A_279 [1] : vector<1024x16xf32> to vector<1024xf32>
    %broadcast_in_dim3A_281 = vector.shape_cast %reduce_sum3A_280 : vector<1024xf32> to vector<1024x1xf32>
    %slice3A_282 = vector.extract_strided_slice %get3A_4 {offsets = [0, 448], sizes = [1024, 16], strides = [1, 1]} : vector<1024x512xf32> to vector<1024x16xf32>
    %slice3A_283 = vector.extract_strided_slice %get3A_7 {offsets = [0, 28], sizes = [1024, 1], strides = [1, 1]} : vector<1024x32xi32> to vector<1024x1xi32>
    %eq3A_284 = vector.broadcast %slice3A_283 : vector<1024x1xi32> to vector<1024x16xi32>
    %eq3A_285 = arith.cmpi eq, %iota3A, %eq3A_284 : vector<1024x16xi32>
    %jit3A_286 = arith.constant 0.000000e+00 : f32
    %broadcast_in_dim3A_287 = vector.broadcast %jit3A_286 : f32 to vector<1024x16xf32>
    %select_n3A_288 = arith.select %eq3A_285, %slice3A_282, %broadcast_in_dim3A_287 : vector<1024x16xi1>, vector<1024x16xf32>
    %reduce_sum3A_289 = arith.constant dense<0.000000e+00> : vector<1024xf32>
    %reduce_sum3A_290 = vector.multi_reduction <add>, %select_n3A_288, %reduce_sum3A_289 [1] : vector<1024x16xf32> to vector<1024xf32>
    %broadcast_in_dim3A_291 = vector.shape_cast %reduce_sum3A_290 : vector<1024xf32> to vector<1024x1xf32>
    %slice3A_292 = vector.extract_strided_slice %get3A_4 {offsets = [0, 464], sizes = [1024, 16], strides = [1, 1]} : vector<1024x512xf32> to vector<1024x16xf32>
    %slice3A_293 = vector.extract_strided_slice %get3A_7 {offsets = [0, 29], sizes = [1024, 1], strides = [1, 1]} : vector<1024x32xi32> to vector<1024x1xi32>
    %eq3A_294 = vector.broadcast %slice3A_293 : vector<1024x1xi32> to vector<1024x16xi32>
    %eq3A_295 = arith.cmpi eq, %iota3A, %eq3A_294 : vector<1024x16xi32>
    %jit3A_296 = arith.constant 0.000000e+00 : f32
    %broadcast_in_dim3A_297 = vector.broadcast %jit3A_296 : f32 to vector<1024x16xf32>
    %select_n3A_298 = arith.select %eq3A_295, %slice3A_292, %broadcast_in_dim3A_297 : vector<1024x16xi1>, vector<1024x16xf32>
    %reduce_sum3A_299 = arith.constant dense<0.000000e+00> : vector<1024xf32>
    %reduce_sum3A_300 = vector.multi_reduction <add>, %select_n3A_298, %reduce_sum3A_299 [1] : vector<1024x16xf32> to vector<1024xf32>
    %broadcast_in_dim3A_301 = vector.shape_cast %reduce_sum3A_300 : vector<1024xf32> to vector<1024x1xf32>
    %slice3A_302 = vector.extract_strided_slice %get3A_4 {offsets = [0, 480], sizes = [1024, 16], strides = [1, 1]} : vector<1024x512xf32> to vector<1024x16xf32>
    %slice3A_303 = vector.extract_strided_slice %get3A_7 {offsets = [0, 30], sizes = [1024, 1], strides = [1, 1]} : vector<1024x32xi32> to vector<1024x1xi32>
    %eq3A_304 = vector.broadcast %slice3A_303 : vector<1024x1xi32> to vector<1024x16xi32>
    %eq3A_305 = arith.cmpi eq, %iota3A, %eq3A_304 : vector<1024x16xi32>
    %jit3A_306 = arith.constant 0.000000e+00 : f32
    %broadcast_in_dim3A_307 = vector.broadcast %jit3A_306 : f32 to vector<1024x16xf32>
    %select_n3A_308 = arith.select %eq3A_305, %slice3A_302, %broadcast_in_dim3A_307 : vector<1024x16xi1>, vector<1024x16xf32>
    %reduce_sum3A_309 = arith.constant dense<0.000000e+00> : vector<1024xf32>
    %reduce_sum3A_310 = vector.multi_reduction <add>, %select_n3A_308, %reduce_sum3A_309 [1] : vector<1024x16xf32> to vector<1024xf32>
    %broadcast_in_dim3A_311 = vector.shape_cast %reduce_sum3A_310 : vector<1024xf32> to vector<1024x1xf32>
    %slice3A_312 = vector.extract_strided_slice %get3A_4 {offsets = [0, 496], sizes = [1024, 16], strides = [1, 1]} : vector<1024x512xf32> to vector<1024x16xf32>
    %slice3A_313 = vector.extract_strided_slice %get3A_7 {offsets = [0, 31], sizes = [1024, 1], strides = [1, 1]} : vector<1024x32xi32> to vector<1024x1xi32>
    %eq3A_314 = vector.broadcast %slice3A_313 : vector<1024x1xi32> to vector<1024x16xi32>
    %eq3A_315 = arith.cmpi eq, %iota3A, %eq3A_314 : vector<1024x16xi32>
    %jit3A_316 = arith.constant 0.000000e+00 : f32
    %broadcast_in_dim3A_317 = vector.broadcast %jit3A_316 : f32 to vector<1024x16xf32>
    %select_n3A_318 = arith.select %eq3A_315, %slice3A_312, %broadcast_in_dim3A_317 : vector<1024x16xi1>, vector<1024x16xf32>
    %reduce_sum3A_319 = arith.constant dense<0.000000e+00> : vector<1024xf32>
    %reduce_sum3A_320 = vector.multi_reduction <add>, %select_n3A_318, %reduce_sum3A_319 [1] : vector<1024x16xf32> to vector<1024xf32>
    %broadcast_in_dim3A_321 = vector.shape_cast %reduce_sum3A_320 : vector<1024xf32> to vector<1024x1xf32>
    %concatenate3A = tpu.concatenate %broadcast_in_dim3A_11, %broadcast_in_dim3A_21, %broadcast_in_dim3A_31, %broadcast_in_dim3A_41, %broadcast_in_dim3A_51, %broadcast_in_dim3A_61, %broadcast_in_dim3A_71, %broadcast_in_dim3A_81, %broadcast_in_dim3A_91, %broadcast_in_dim3A_101, %broadcast_in_dim3A_111, %broadcast_in_dim3A_121, %broadcast_in_dim3A_131, %broadcast_in_dim3A_141, %broadcast_in_dim3A_151, %broadcast_in_dim3A_161, %broadcast_in_dim3A_171, %broadcast_in_dim3A_181, %broadcast_in_dim3A_191, %broadcast_in_dim3A_201, %broadcast_in_dim3A_211, %broadcast_in_dim3A_221, %broadcast_in_dim3A_231, %broadcast_in_dim3A_241, %broadcast_in_dim3A_251, %broadcast_in_dim3A_261, %broadcast_in_dim3A_271, %broadcast_in_dim3A_281, %broadcast_in_dim3A_291, %broadcast_in_dim3A_301, %broadcast_in_dim3A_311, %broadcast_in_dim3A_321 in 1 : vector<1024x1xf32>, vector<1024x1xf32>, vector<1024x1xf32>, vector<1024x1xf32>, vector<1024x1xf32>, vector<1024x1xf32>, vector<1024x1xf32>, vector<1024x1xf32>, vector<1024x1xf32>, vector<1024x1xf32>, vector<1024x1xf32>, vector<1024x1xf32>, vector<1024x1xf32>, vector<1024x1xf32>, vector<1024x1xf32>, vector<1024x1xf32>, vector<1024x1xf32>, vector<1024x1xf32>, vector<1024x1xf32>, vector<1024x1xf32>, vector<1024x1xf32>, vector<1024x1xf32>, vector<1024x1xf32>, vector<1024x1xf32>, vector<1024x1xf32>, vector<1024x1xf32>, vector<1024x1xf32>, vector<1024x1xf32>, vector<1024x1xf32>, vector<1024x1xf32>, vector<1024x1xf32>, vector<1024x1xf32> -> vector<1024x32xf32>
    %add3A = arith.constant 1.000000e-03 : f32
    %add3A_322 = vector.broadcast %add3A : f32 to vector<1024x32xf32>
    %add3A_323 = arith.addf %get3A_1, %add3A_322 : vector<1024x32xf32>
    %div3A = arith.constant 1.000000e+00 : f32
    %div3A_324 = vector.broadcast %div3A : f32 to vector<1024x32xf32>
    %div3A_325 = arith.divf %div3A_324, %add3A_323 : vector<1024x32xf32>
    %reduce_sum3A_326 = arith.constant dense<0.000000e+00> : vector<1024xf32>
    %reduce_sum3A_327 = vector.multi_reduction <add>, %div3A_325, %reduce_sum3A_326 [1] : vector<1024x32xf32> to vector<1024xf32>
    %broadcast_in_dim3A_328 = vector.shape_cast %reduce_sum3A_327 : vector<1024xf32> to vector<1024x1xf32>
    %div3A_329 = vector.broadcast %broadcast_in_dim3A_328 : vector<1024x1xf32> to vector<1024x32xf32>
    %div3A_330 = arith.divf %div3A_325, %div3A_329 : vector<1024x32xf32>
    %mul3A = arith.mulf %div3A_330, %concatenate3A : vector<1024x32xf32>
    %reduce_sum3A_331 = arith.constant dense<0.000000e+00> : vector<1024xf32>
    %reduce_sum3A_332 = vector.multi_reduction <add>, %mul3A, %reduce_sum3A_331 [1] : vector<1024x32xf32> to vector<1024xf32>
    %broadcast_in_dim3A_333 = vector.shape_cast %reduce_sum3A_332 : vector<1024xf32> to vector<1024x1xf32>
    %slice3A_334 = vector.extract_strided_slice %get3A_1 {offsets = [0, 0], sizes = [1024, 1], strides = [1, 1]} : vector<1024x32xf32> to vector<1024x1xf32>
    %eq3A_335 = arith.constant 0.000000e+00 : f32
    %eq3A_336 = vector.broadcast %eq3A_335 : f32 to vector<1024x1xf32>
    %eq3A_337 = arith.cmpf oeq, %slice3A_334, %eq3A_336 : vector<1024x1xf32>
    %slice3A_338 = vector.extract_strided_slice %concatenate3A {offsets = [0, 0], sizes = [1024, 1], strides = [1, 1]} : vector<1024x32xf32> to vector<1024x1xf32>
    %select_n3A_339 = arith.select %eq3A_337, %slice3A_338, %broadcast_in_dim3A_333 : vector<1024x1xi1>, vector<1024x1xf32>
    %swap3A = arith.constant 0 : index
    %swap3A_340 = arith.constant 0 : index
    %swap3A_341 = vector.load %arg3[%swap3A, %swap3A_340] : memref<1024x1xf32, #tpu.memory_space<vmem>>, vector<1024x1xf32>
    tpu.vector_store %arg3[%swap3A, %swap3A_340], %select_n3A_339 {strides = array<i32>} : memref<1024x1xf32, #tpu.memory_space<vmem>>, vector<1024x1xf32>,
    return
  }
}

</mosaic_0001>

<sc_bundles>
// kernel: kernel.11.cloned.1.call-start
scs
__scs_entry_jumppad:
0x0: {  	(pc) =	sbr.rel $0x88, $3  }
0x1: {  	(tag) =	ssettag $0x0;
	lr =	simm.s32 $0x1  }
0x2: {  	[smem:$0x3F9E] =	sst lr;
	_ =	strace $0xD0000000  }
0x3: {  	_ = 	snop  }
0x4: {  	_ = 	snop  }
0x5: {  	_ = 	snop  }
0x6: {  	_ = 	snop  }
0x7: {  	_ = 	snop  }
__scs_overlays_trampoline_lowered:
0x8: {  	[smem:$0x3FAD] =	sst s0  }
0x9: {  	[smem:$0x3FAE] =	sst s1  }
0xa: {  	[smem:$0x3FAF] =	sst s2  }
0xb: {  	[smem:$0x3FB0] =	sst s3  }
0xc: {  	[smem:$0x3FB1] =	sst s4  }
0xd: {  	[smem:$0x3FB2] =	sst s5  }
0xe: {  	[smem:$0x3FB3] =	sst s6  }
0xf: {  	[smem:$0x3FB4] =	sst s7  }
0x10: {  	[smem:$0x3FB5] =	sst s8  }
0x11: {  	[smem:$0x3FB6] =	sst s9;
	s0 =	simm.s32 @!p0 $0x0  }
0x12: {  	s1 =	sld [smem:$0x3F9C];
	s0 =	simm.s32 @p0 $0x1  }
0x13: {  	[smem:$0x3FB7] =	sst s0;
	s0 =	simm.s32 @!p1 $0x0  }
0x14: {  	s2 =	sld [smem:$0x3F9B];
	s0 =	simm.s32 @p1 $0x1  }
0x15: {  	[smem:$0x3FB8] =	sst s0;
	s0 =	simm.s32 @!p2 $0x0  }
0x16: {  	s3 =	sld [smem:$0x3FDB];
	s0 =	simm.s32 @p2 $0x1  }
0x17: {  	s4 =	simm.s32 $0x1BF5;
	[smem:$0x3FBA] =	sst s0  }
0x18: {  	s0 =	sld [smem:$0x3F9D];
	_ =	swait.ge [sflag:s4], $0x0  }
0x19: {  	s7 =	sld [smem:$0x3F9E]  }
0x1a: {  	s8 =	sadd.s32 $0xFFFFE003, lr  }
0x1b: {  	s9 =	sadd.s32 $0xFFFFFEF7, lr;
	s5 =	simm.s32 $0xFFFFFFFF;
	p2 =	slt.u32 s8, $0xFFFFF086  }
0x1c: {  	p1 =	slt.u32 s9, $0xF7A;
	s5 =	simm.s32 @!p2 $0x0  }
0x1d: {  	s5 =	simm.s32 @p1 $0x1;
	p0 =	seq.s32 s7, s2  }
0x1e: {  	s7 =	smul.u32 @!p0 $0xF7A, s2;
	p2 =	seq.s32 @!p0 s5, $0x0  }
0x1f: {  	s9 =	smul.u32 $0xF7A, s1;
	s8 =	simm.s32 @!p0 $0x1BF5;
	p2 =	por !p2, p0  }
0x20: {  	[sflag:s8] =	ssyncset.s32 @!p0 $0xFFFFF086;
	s6 =	sadd.s32 @!p0 s3, s7;
	s7 =	simm.s32 @!p0 $0x108  }
0x21: {  	s3 =	sadd.s32 s3, s9;
	s6 =	sadd.s32 @!p0 $0x88, s6;
	s7 =	simm.s32 @p2 $0x1082  }
0x22: {  	[simem:s7], [sflag:s8] =	dma.local @!p0 [hbm:s6], $0xF7A  }
0x23: {  	s9 =	sor.u32 $0xD0000000, s2;
	s6 =	simm.s32 $0x108;
	_ =	swait.ge @!p0 [sflag:s8], $0x0  }
0x24: {  	s3 =	sadd.s32 $0x88, s3;
	s6 =	simm.s32 @!p1 $0x1082;
	[sflag:s4] =	ssyncset.s32 $0xFFFFF086  }
0x25: {  	[simem:s6], [sflag:s4] =	dma.local [hbm:s3], $0xF7A  }
0x26: {  	[smem:$0x3F9E] =	sst s1;
	(tag) =	ssettag s2;
	_ =	strace s9  }
0x27: {  	s1 =	sld [smem:$0x3FAE]  }
0x28: {  	s2 =	sld [smem:$0x3FAF]  }
0x29: {  	s4 =	sld [smem:$0x3FB1]  }
0x2a: {  	p0 =	seq.s32 s5, $0x0;
	s5 =	sld [smem:$0x3FB2]  }
0x2b: {  	s6 =	sld [smem:$0x3FB3]  }
0x2c: {  	s7 =	sld [smem:$0x3FB4]  }
0x2d: {  	s3 =	simm.s32 $0x108;
	s8 =	sld [smem:$0x3FB5]  }
0x2e: {  	s3 =	simm.s32 @!p0 $0x1082;
	s9 =	sld [smem:$0x3FB6]  }
0x2f: {  	lr =	sadd.s32 s0, s3;
	s0 =	sld [smem:$0x3FAD]  }
0x30: {  	s3 =	sld [smem:$0x3FB0]  }
0x31: {  	[smem:$0x3FB9] =	sst s10  }
0x32: {  	s10 =	sld [smem:$0x3FB7];
	_ =	sdelay $0x3  }
0x33: {  	p0 =	seq.s32 s10, $0x1;
	s10 =	sld [smem:$0x3FB9];
	_ =	sdelay $0x3  }
0x34: {  	[smem:$0x3FB9] =	sst s10  }
0x35: {  	s10 =	sld [smem:$0x3FB8];
	_ =	sdelay $0x3  }
0x36: {  	p1 =	seq.s32 s10, $0x1;
	s10 =	sld [smem:$0x3FB9];
	_ =	sdelay $0x3  }
0x37: {  	[smem:$0x3FB9] =	sst s10  }
0x38: {  	s10 =	sld [smem:$0x3FBA]  }
0x39: {  	_ = 	snop;
	(pc) =	sbr.ind lr, $3  }
0x3a: {  	_ = 	snop  }
0x3b: {  	_ = 	snop  }
0x3c: {  	p2 =	seq.s32 s10, $0x1;
	s10 =	sld [smem:$0x3FB9]  }
0x3d: {  	_ =	shalt  }
0x3e: {  	_ =	shalt  }
0x3f: {  	_ =	shalt  }
0x40: {  	_ =	shalt  }
0x41: {  	_ =	shalt  }
0x42: {  	_ =	shalt  }
0x43: {  	_ =	shalt  }
0x44: {  	_ =	shalt  }
0x45: {  	_ =	shalt  }
0x46: {  	_ =	shalt  }
0x47: {  	_ =	shalt  }
0x48: {  	_ =	shalt  }
0x49: {  	_ =	shalt  }
0x4a: {  	_ =	shalt  }
0x4b: {  	_ =	shalt  }
0x4c: {  	_ =	shalt  }
0x4d: {  	_ =	shalt  }
0x4e: {  	_ =	shalt  }
0x4f: {  	_ =	shalt  }
0x50: {  	_ =	shalt  }
0x51: {  	_ =	shalt  }
0x52: {  	_ =	shalt  }
0x53: {  	_ =	shalt  }
0x54: {  	_ =	shalt  }
0x55: {  	_ =	shalt  }
0x56: {  	_ =	shalt  }
0x57: {  	_ =	shalt  }
0x58: {  	_ =	shalt  }
0x59: {  	_ =	shalt  }
0x5a: {  	_ =	shalt  }
0x5b: {  	_ =	shalt  }
0x5c: {  	_ =	shalt  }
0x5d: {  	_ =	shalt  }
0x5e: {  	_ =	shalt  }
0x5f: {  	_ =	shalt  }
0x60: {  	_ =	shalt  }
0x61: {  	_ =	shalt  }
0x62: {  	_ =	shalt  }
0x63: {  	_ =	shalt  }
0x64: {  	_ =	shalt  }
0x65: {  	_ =	shalt  }
0x66: {  	_ =	shalt  }
0x67: {  	_ =	shalt  }
0x68: {  	_ =	shalt  }
0x69: {  	_ =	shalt  }
0x6a: {  	_ =	shalt  }
0x6b: {  	_ =	shalt  }
0x6c: {  	_ =	shalt  }
0x6d: {  	_ =	shalt  }
0x6e: {  	_ =	shalt  }
0x6f: {  	_ =	shalt  }
0x70: {  	_ =	shalt  }
0x71: {  	_ =	shalt  }
0x72: {  	_ =	shalt  }
0x73: {  	_ =	shalt  }
0x74: {  	_ =	shalt  }
0x75: {  	_ =	shalt  }
0x76: {  	_ =	shalt  }
0x77: {  	_ =	shalt  }
0x78: {  	_ =	shalt  }
0x79: {  	_ =	shalt  }
0x7a: {  	_ =	shalt  }
0x7b: {  	_ =	shalt  }
0x7c: {  	_ =	shalt  }
0x7d: {  	_ =	shalt  }
0x7e: {  	_ =	shalt  }
0x7f: {  	_ =	shalt  }
0x80: {  	_ =	shalt  }
0x81: {  	_ =	shalt  }
0x82: {  	_ =	shalt  }
0x83: {  	_ =	shalt  }
0x84: {  	_ =	shalt  }
0x85: {  	_ =	shalt  }
0x86: {  	_ =	shalt  }
0x87: {  	_ =	shalt  }
.Lfunc_end0:
.L_simem_size_0:
called_computation.2_lowered:
.L_overlay_start_0:
0x88: {  	s2 =	sld [smem:$0x3FD9]  }
0x89: {  	s3 =	sld [smem:$0x3FFE];
	_ =	sdelay $0x1  }
0x8a: {  	s1 =	srdreg.scid  }
0x8b: {  	s0 =	sand.u32 $0x1, s1  }
0x8c: {  	s16 =	sshll.u32 s0, $0xA;
	s2 =	sadd.s32 s3, s2  }
0x8d: {  	s2 =	sadd.s32 s2, s16  }
0x8e: {  	[smem:$0x3FC5] =	sst s2  }
0x8f: {  	_ = 	snop  }
0x90: {  	(tm) =	ssettm $0x1  }
0x91: {  	s17 =	sld [smem:$0x3FFB];
	_ =	sdelay $0x3  }
0x92: {  	_ =	strace s17  }
0x93: {  	s2 =	sld [smem:$0x3FFC];
	_ =	sdelay $0x3  }
0x94: {  	_ =	strace s2  }
0x95: {  	s2 =	sld [smem:$0x3FFD];
	_ =	sdelay $0x3  }
0x96: {  	_ =	strace s2  }
0x97: {  	_ =	strace $0x8FFFFFFF  }
0x98: {  	s18 =	sld [smem:$0x3FDB];
	_ =	sdelay $0x1  }
0x99: {  	s19 =	simm.s32 $_scs_section_size  }
0x9a: {  	s4 =	simm.s32 $_size__tile_overlayer_lowered;
	s5 =	simm.s32 $_tile_overlayer_lowered  }
0x9b: {  	s22 =	simm.s32 $0x1BFF;
	s21 =	sshll.u32 s5, $0x1;
	s2 =	sadd.s32 s19, s18  }
0x9c: {  	s6 =	simm.s32 $0x0;
	s20 =	sshll.u32 s4, $0x1;
	s4 =	sadd.s32 s21, s2  }
0x9d: {  	[timem:s6], [sflag:s22] =	dma.local [hbm:s4], s20  }
0x9e: {  	_ =	swait.ge [sflag:s22], s20  }
0x9f: {  	s3 =	ssub.s32 $0x0, s20;
	[sflag:s22] =	ssyncset.done $0x0  }
0xa0: {  	[sflag:s22] =	ssyncadd.s32 s3;
	_ =	sdelay $0x1  }
0xa1: {  	s23 =	simm.s32 $0x1B8B  }
0xa2: {  	_ =	swait.ge [sflag:s23], $0x1  }
0xa3: {  	[sflag:s23] =	ssyncset.done $0x0  }
0xa4: {  	s25 =	simm.s32 $0x1B8E;
	s24 =	sld [smem:$0x3FFE];
	[sflag:s23] =	ssyncadd.s32 $0xFFFFFFFF  }
0xa5: {  	s26 =	simm.s32 $execute0_lowered;
	[smem:$0x3FD2] =	sst s25  }
0xa6: {  	s4 =	sshll.u32 s26, $0x1;
	_ =	strace $0x8000004C;
	[dreg:$0x1] =	wrdreg $0xFFFFFFFF  }
0xa7: {  	s28 =	simm.s32 $_size_execute0_lowered;
	s2 =	sadd.s32 s2, s4;
	[dreg:$0x0] =	wrdreg $0x0  }
0xa8: {  	s4 =	sshll.u32 s28, $0x1;
	[dreg:$0x2] =	wrdreg s2  }
0xa9: {  	[dreg:$0x3] =	wrdreg s4  }
0xaa: {  	[dreg:$0x4] =	wrdreg $0xC0  }
0xab: {  	_ =	task [dreg:s6], $0x5FFFF  }
0xac: {  	[dreg:$0x1] =	wrdreg $0xFFFFFFFF  }
0xad: {  	[dreg:$0x0] =	wrdreg $0x60  }
0xae: {  	[dreg:$0x2] =	wrdreg s24  }
0xaf: {  	[dreg:$0x3] =	wrdreg $0x9  }
0xb0: {  	_ =	task.clear_ibuf [dreg:s6], $0x4FFFF;
	_ =	strace $0x9000004C  }
0xb1: {  	s29 =	simm.s32 $0x9;
	_ =	strace $0x8000004E  }
0xb2: {  	_ =	swait.ge [sflag:s29], $0x1  }
0xb3: {  	[sflag:s29] =	ssyncadd.s32 $0xFFFFFFFF  }
0xb4: {  	_ =	strace $0x9000004E  }
0xb5: {  	_ =	sfence  }
0xb6: {  	s30 =	sld [smem:$0x0];
	_ =	sdelay $0x2  }
0xb7: {  	s31 =	sshll.u32 s1, $0xD;
	s1 =	sshrl.u32 s1, $0x2  }
0xb8: {  	s3 =	sand.u32 $0x4000, s31;
	s1 =	sadd.s32 s1, s30  }
0xb9: {  	s0 =	sor.u32 s3, s0;
	s1 =	sshll.u32 s1, $0x11  }
0xba: {  	s0 =	sor.u32 s1, s0  }
0xbb: {  	s0 =	sadd.s32 $0x8F2B, s0  }
0xbc: {  	[sflag:s0] =	ssyncadd.remote.s32 $0x1  }
0xbd: {  	_ =	sfence.sel $0xFFFF  }
0xbe: {  	[dreg:$0x0] =	wrdreg $0xFFFFFFFF;
	(pc) =	sbr.abs _section_cstart, $3  }
0xbf: {  	[dreg:$0x1] =	wrdreg $0xFFFFFFFF  }
0xc0: {  	_ =	task.clear_ibuf [dreg:s6], $0x2FFFF;
	_ =	strace $0x9FFFFFFF  }
0xc1: {  	(tm) =	ssettm $0x7FFFFFFF  }
tec
execute0_lowered:
.L_overlay_start_1:
0x0: {  	(tag) =	ssettag $0x1  }
0x1: {  	s1 =	srdreg.scid  }
0x2: {  	s0 =	stileid.u32;
	s23 =	sand.u32 $0x1, s1  }
0x3: {  	s31 =	sshll.u32 s0, $0xB;
	s2 =	sshll.u32 s23, $0xA  }
0x4: {  	s22 =	rddreg [dreg:$0x0];
	s24 =	sor.u32 s2, s31  }
0x5: {  	s1 =	rddreg [dreg:$0x1];
	s2 =	simm.s32 $0x0;
	s3 =	sshrl.u32 s24, $0x3  }
0x6: {  	[smem:$0x7FF] =	sst s2;
	s3 =	sadd.s32 s3, s22  }
0x7: {  	_ =	strace $0x8000004D;
	s4 =	sadd.s32 $0x1A00, s3;
	s3 =	simm.s32 $0x2  }
0x8: {  	[tilespmem:s2], [sflag:$0x2] =	stream.linear.gather [hbm4b:s4+s2], $0x400, $0x38;
	[tilespmem:$0x4400] =	vst v63  }
0x9: {  	_ =	swait.ge [sflag:s3], $0x400  }
0xa: {  	s6 =	simm.s32 $0x80;
	[sflag:s3] =	ssyncset.done $0x0  }
0xb: {  	s7 =	simm.s32 $0x400;
	s5 =	sadd.s32 $0x56E00, s22;
	[sflag:s3] =	ssyncadd.s32 $0xFFFFFC00  }
0xc: {  	[tilespmem:s7], [sflag:$0x1] =	stream.indirect.gather [hbm4b:s5+s6], $0x10, s2, s6, $0xb8;
	[tilespmem:$0x4400] =	vst v63  }
0xd: {  	s8 =	simm.s32 $0xC00  }
0xe: {  	[tilespmem:s8], [sflag:$0x1] =	stream.indirect.gather [hbm4b:s5+s6], $0x10, s6, s6, $0xb8;
	[tilespmem:$0x4400] =	vst v63  }
0xf: {  	s9 =	simm.s32 $0x100;
	s10 =	simm.s32 $0x1400  }
0x10: {  	[tilespmem:s10], [sflag:$0x1] =	stream.indirect.gather [hbm4b:s5+s6], $0x10, s9, s6, $0xb8;
	[tilespmem:$0x4400] =	vst v63  }
0x11: {  	s11 =	simm.s32 $0x180;
	s12 =	simm.s32 $0x1C00  }
0x12: {  	[tilespmem:s12], [sflag:$0x1] =	stream.indirect.gather [hbm4b:s5+s6], $0x10, s11, s6, $0xb8;
	[tilespmem:$0x4400] =	vst v63  }
0x13: {  	s13 =	simm.s32 $0x200;
	s14 =	simm.s32 $0x2400  }
0x14: {  	[tilespmem:s14], [sflag:$0x1] =	stream.indirect.gather [hbm4b:s5+s6], $0x10, s13, s6, $0xb8;
	[tilespmem:$0x4400] =	vst v63  }
0x15: {  	s15 =	simm.s32 $0x280;
	s16 =	simm.s32 $0x2C00  }
0x16: {  	[tilespmem:s16], [sflag:$0x1] =	stream.indirect.gather [hbm4b:s5+s6], $0x10, s15, s6, $0xb8;
	[tilespmem:$0x4400] =	vst v63  }
0x17: {  	s17 =	simm.s32 $0x300;
	s18 =	simm.s32 $0x3400  }
0x18: {  	[tilespmem:s18], [sflag:$0x1] =	stream.indirect.gather [hbm4b:s5+s6], $0x10, s17, s6, $0xb8;
	[tilespmem:$0x4400] =	vst v63  }
0x19: {  	s19 =	simm.s32 $0x380;
	s20 =	simm.s32 $0x3C00;
	s21 =	simm.s32 $0x1  }
0x1a: {  	[tilespmem:s20], [sflag:$0x1] =	stream.indirect.gather [hbm4b:s5+s6], $0x10, s19, s6, $0xb8;
	[tilespmem:$0x4400] =	vst v63  }
0x1b: {  	_ =	swait.ge [sflag:s21], $0x800  }
0x1c: {  	[sflag:s21] =	ssyncset.done $0x0  }
0x1d: {  	[sflag:s21] =	ssyncadd.s32 $0xFFFFF800  }
0x1e: {  	_ =	swait.ge [sflag:s21], $0x800  }
0x1f: {  	[sflag:s21] =	ssyncset.done $0x0  }
0x20: {  	[sflag:s21] =	ssyncadd.s32 $0xFFFFF800  }
0x21: {  	_ =	swait.ge [sflag:s21], $0x800  }
0x22: {  	[sflag:s21] =	ssyncset.done $0x0  }
0x23: {  	[sflag:s21] =	ssyncadd.s32 $0xFFFFF800  }
0x24: {  	_ =	swait.ge [sflag:s21], $0x800  }
0x25: {  	[sflag:s21] =	ssyncset.done $0x0  }
0x26: {  	[sflag:s21] =	ssyncadd.s32 $0xFFFFF800  }
0x27: {  	_ =	swait.ge [sflag:s21], $0x800  }
0x28: {  	[sflag:s21] =	ssyncset.done $0x0  }
0x29: {  	[sflag:s21] =	ssyncadd.s32 $0xFFFFF800  }
0x2a: {  	_ =	swait.ge [sflag:s21], $0x800  }
0x2b: {  	[sflag:s21] =	ssyncset.done $0x0  }
0x2c: {  	s23 =	ssub.s32 $0x2, s23;
	[sflag:s21] =	ssyncadd.s32 $0xFFFFF800  }
0x2d: {  	s25 =	sshrl.u32 s23, $0x1;
	_ =	swait.ge [sflag:s21], $0x800  }
0x2e: {  	s23 =	ssub.s32 s23, s25;
	[sflag:s21] =	ssyncset.done $0x0  }
0x2f: {  	s23 =	smax.u32 s23, $0x1;
	[sflag:s21] =	ssyncadd.s32 $0xFFFFF800  }
0x30: {  	s24 =	sshll.u32 s24, $0x1;
	p0 =	sne.s32 s23, $0x1;
	_ =	swait.ge [sflag:s21], $0x800  }
.Ltmp0:
0x31: {  	s22 =	sadd.s32 s24, s22;
	[sflag:s21] =	ssyncset.done $0x0;
	(pc) =	sbr.rel @!p0 .LBB2_2-.Ltmp0, $4  }
0x32: {  	s22 =	sadd.s32 $0x2A00, s22;
	[sflag:s21] =	ssyncadd.s32 $0xFFFFF800  }
0x33: {  	[hbm4b:s22+s2] =	stream.linear.scatter [tilespmem:s7], [sflag:$0x2], $0x4000, $0x38;
	[tilespmem:$0x4400] =	vst v63  }
0x34: {  	_ =	swait.ge [sflag:s3], $0x4000  }
0x35: {  	s23 =	sadd.s32 $0xFFFFFFFF, s23;
	[sflag:s3] =	ssyncset.done $0x0  }
.LBB2_1:
0x36: {  	p0 =	sne.s32 s23, $0x1;
	s23 =	sadd.s32 $0xFFFFFFFF, s23;
	[sflag:s3] =	ssyncadd.s32 $0xFFFFC000  }
0x37: {  	[tilespmem:s2], [sflag:$0x2] =	stream.linear.gather [hbm4b:s4+s2], $0x400, $0x38;
	[tilespmem:$0x4400] =	vst v63  }
0x38: {  	_ =	swait.ge [sflag:s3], $0x400  }
0x39: {  	[sflag:s3] =	ssyncset.done $0x0  }
0x3a: {  	[sflag:s3] =	ssyncadd.s32 $0xFFFFFC00  }
0x3b: {  	[tilespmem:s7], [sflag:$0x1] =	stream.indirect.gather [hbm4b:s5+s6], $0x10, s2, s6, $0xb8;
	[tilespmem:$0x4400] =	vst v63  }
0x3c: {  	_ = 	snop  }
0x3d: {  	[tilespmem:s8], [sflag:$0x1] =	stream.indirect.gather [hbm4b:s5+s6], $0x10, s6, s6, $0xb8;
	[tilespmem:$0x4400] =	vst v63  }
0x3e: {  	_ = 	snop  }
0x3f: {  	[tilespmem:s10], [sflag:$0x1] =	stream.indirect.gather [hbm4b:s5+s6], $0x10, s9, s6, $0xb8;
	[tilespmem:$0x4400] =	vst v63  }
0x40: {  	_ = 	snop  }
0x41: {  	[tilespmem:s12], [sflag:$0x1] =	stream.indirect.gather [hbm4b:s5+s6], $0x10, s11, s6, $0xb8;
	[tilespmem:$0x4400] =	vst v63  }
0x42: {  	_ = 	snop  }
0x43: {  	[tilespmem:s14], [sflag:$0x1] =	stream.indirect.gather [hbm4b:s5+s6], $0x10, s13, s6, $0xb8;
	[tilespmem:$0x4400] =	vst v63  }
0x44: {  	_ = 	snop  }
0x45: {  	[tilespmem:s16], [sflag:$0x1] =	stream.indirect.gather [hbm4b:s5+s6], $0x10, s15, s6, $0xb8;
	[tilespmem:$0x4400] =	vst v63  }
0x46: {  	_ = 	snop  }
0x47: {  	[tilespmem:s18], [sflag:$0x1] =	stream.indirect.gather [hbm4b:s5+s6], $0x10, s17, s6, $0xb8;
	[tilespmem:$0x4400] =	vst v63  }
0x48: {  	_ = 	snop  }
0x49: {  	[tilespmem:s20], [sflag:$0x1] =	stream.indirect.gather [hbm4b:s5+s6], $0x10, s19, s6, $0xb8;
	[tilespmem:$0x4400] =	vst v63  }
0x4a: {  	_ =	swait.ge [sflag:s21], $0x800  }
0x4b: {  	[sflag:s21] =	ssyncset.done $0x0  }
0x4c: {  	[sflag:s21] =	ssyncadd.s32 $0xFFFFF800  }
0x4d: {  	_ =	swait.ge [sflag:s21], $0x800  }
0x4e: {  	[sflag:s21] =	ssyncset.done $0x0  }
0x4f: {  	[sflag:s21] =	ssyncadd.s32 $0xFFFFF800  }
0x50: {  	_ =	swait.ge [sflag:s21], $0x800  }
0x51: {  	[sflag:s21] =	ssyncset.done $0x0  }
0x52: {  	[sflag:s21] =	ssyncadd.s32 $0xFFFFF800  }
0x53: {  	_ =	swait.ge [sflag:s21], $0x800  }
0x54: {  	[sflag:s21] =	ssyncset.done $0x0  }
0x55: {  	[sflag:s21] =	ssyncadd.s32 $0xFFFFF800  }
0x56: {  	_ =	swait.ge [sflag:s21], $0x800  }
0x57: {  	[sflag:s21] =	ssyncset.done $0x0  }
0x58: {  	[sflag:s21] =	ssyncadd.s32 $0xFFFFF800  }
0x59: {  	_ =	swait.ge [sflag:s21], $0x800  }
0x5a: {  	[sflag:s21] =	ssyncset.done $0x0  }
0x5b: {  	[sflag:s21] =	ssyncadd.s32 $0xFFFFF800  }
0x5c: {  	_ =	swait.ge [sflag:s21], $0x800  }
0x5d: {  	[sflag:s21] =	ssyncset.done $0x0  }
0x5e: {  	[sflag:s21] =	ssyncadd.s32 $0xFFFFF800  }
0x5f: {  	_ =	swait.ge [sflag:s21], $0x800  }
.Ltmp1:
0x60: {  	[sflag:s21] =	ssyncset.done $0x0;
	(pc) =	sbr.rel @p0 .LBB2_1-.Ltmp1, $4  }
0x61: {  	[sflag:s21] =	ssyncadd.s32 $0xFFFFF800  }
0x62: {  	[hbm4b:s22+s2] =	stream.linear.scatter [tilespmem:s7], [sflag:$0x2], $0x4000, $0x38;
	[tilespmem:$0x4400] =	vst v63  }
0x63: {  	_ =	swait.ge [sflag:s3], $0x4000  }
0x64: {  	[sflag:s3] =	ssyncset.done $0x0  }
.LBB2_2:
0x65: {  	[sflag:s3] =	ssyncadd.s32 $0xFFFFC000  }
0x66: {  	_ =	sfence.sel $0x180000  }
0x67: {  	[bflag:$0x0] =	sbarrier.arrive $0xFFFF  }
0x68: {  	p0 =	sne.s32 s0, $0x0;
	_ =	strace $0x9000004D  }
0x69: {  	s0 =	sadd.s32 @!p0 $0x100000, s1;
	[bflag:$0x2] =	sbarrier.arrive $0xFFFF  }
0x6a: {  	[sflag:s0] =	ssyncadd.tile.s32 @!p0 $0x1;
	_ =	shalt  }
.Lfunc_end2:
_tile_overlayer_lowered:
.L_overlay_start_2:
0x6b: {  	(tag) =	ssettag $0x2  }
0x6c: {  	s0 =	rddreg [dreg:$0x0];
	s2 =	stileid.u32  }
0x6d: {  	s1 =	rddreg [dreg:$0x1];
	p0 =	sne.s32 s2, $0x0  }
0x6e: {  	s3 =	rddreg [dreg:$0x2];
	[bflag:$0x3] =	sbarrier.arrive $0xFFFF;
	s2 =	simm.s32 @!p0 $0x1C02  }
0x6f: {  	[timem:s3], [sflag:s2] =	dma.local @!p0 [hbm:s0], s1  }
0x70: {  	s0 =	simm.s32 @!p0 $0x2  }
0x71: {  	_ =	swait.ge @!p0 [sflag:s0], s1  }
0x72: {  	s1 =	ssub.s32 @!p0 $0x0, s1;
	[sflag:s0] =	ssyncset.done @!p0 $0x0  }
0x73: {  	[sflag:s0] =	ssyncadd.s32 @!p0 s1  }
0x74: {  	[bflag:$0x3] =	sbarrier.arrive $0xFFFF  }
0x75: {  	_ =	shalt  }

// kernel: kernel.8.cloned.1.call-start
scs
__scs_entry_jumppad:
0x0: {  	(pc) =	sbr.rel $0x88, $3  }
0x1: {  	(tag) =	ssettag $0x0;
	lr =	simm.s32 $0x1  }
0x2: {  	[smem:$0x3F9E] =	sst lr;
	_ =	strace $0xD0000000  }
0x3: {  	_ = 	snop  }
0x4: {  	_ = 	snop  }
0x5: {  	_ = 	snop  }
0x6: {  	_ = 	snop  }
0x7: {  	_ = 	snop  }
__scs_overlays_trampoline_lowered:
0x8: {  	[smem:$0x3FAD] =	sst s0  }
0x9: {  	[smem:$0x3FAE] =	sst s1  }
0xa: {  	[smem:$0x3FAF] =	sst s2  }
0xb: {  	[smem:$0x3FB0] =	sst s3  }
0xc: {  	[smem:$0x3FB1] =	sst s4  }
0xd: {  	[smem:$0x3FB2] =	sst s5  }
0xe: {  	[smem:$0x3FB3] =	sst s6  }
0xf: {  	[smem:$0x3FB4] =	sst s7  }
0x10: {  	[smem:$0x3FB5] =	sst s8  }
0x11: {  	[smem:$0x3FB6] =	sst s9;
	s0 =	simm.s32 @!p0 $0x0  }
0x12: {  	s1 =	sld [smem:$0x3F9C];
	s0 =	simm.s32 @p0 $0x1  }
0x13: {  	[smem:$0x3FB7] =	sst s0;
	s0 =	simm.s32 @!p1 $0x0  }
0x14: {  	s2 =	sld [smem:$0x3F9B];
	s0 =	simm.s32 @p1 $0x1  }
0x15: {  	[smem:$0x3FB8] =	sst s0;
	s0 =	simm.s32 @!p2 $0x0  }
0x16: {  	s3 =	sld [smem:$0x3FDB];
	s0 =	simm.s32 @p2 $0x1  }
0x17: {  	s4 =	simm.s32 $0x1BF5;
	[smem:$0x3FBA] =	sst s0  }
0x18: {  	s0 =	sld [smem:$0x3F9D];
	_ =	swait.ge [sflag:s4], $0x0  }
0x19: {  	s7 =	sld [smem:$0x3F9E]  }
0x1a: {  	s8 =	sadd.s32 $0xFFFFE003, lr  }
0x1b: {  	s9 =	sadd.s32 $0xFFFFFEF7, lr;
	s5 =	simm.s32 $0xFFFFFFFF;
	p2 =	slt.u32 s8, $0xFFFFF086  }
0x1c: {  	p1 =	slt.u32 s9, $0xF7A;
	s5 =	simm.s32 @!p2 $0x0  }
0x1d: {  	s5 =	simm.s32 @p1 $0x1;
	p0 =	seq.s32 s7, s2  }
0x1e: {  	s7 =	smul.u32 @!p0 $0xF7A, s2;
	p2 =	seq.s32 @!p0 s5, $0x0  }
0x1f: {  	s9 =	smul.u32 $0xF7A, s1;
	s8 =	simm.s32 @!p0 $0x1BF5;
	p2 =	por !p2, p0  }
0x20: {  	[sflag:s8] =	ssyncset.s32 @!p0 $0xFFFFF086;
	s6 =	sadd.s32 @!p0 s3, s7;
	s7 =	simm.s32 @!p0 $0x108  }
0x21: {  	s3 =	sadd.s32 s3, s9;
	s6 =	sadd.s32 @!p0 $0x88, s6;
	s7 =	simm.s32 @p2 $0x1082  }
0x22: {  	[simem:s7], [sflag:s8] =	dma.local @!p0 [hbm:s6], $0xF7A  }
0x23: {  	s9 =	sor.u32 $0xD0000000, s2;
	s6 =	simm.s32 $0x108;
	_ =	swait.ge @!p0 [sflag:s8], $0x0  }
0x24: {  	s3 =	sadd.s32 $0x88, s3;
	s6 =	simm.s32 @!p1 $0x1082;
	[sflag:s4] =	ssyncset.s32 $0xFFFFF086  }
0x25: {  	[simem:s6], [sflag:s4] =	dma.local [hbm:s3], $0xF7A  }
0x26: {  	[smem:$0x3F9E] =	sst s1;
	(tag) =	ssettag s2;
	_ =	strace s9  }
0x27: {  	s1 =	sld [smem:$0x3FAE]  }
0x28: {  	s2 =	sld [smem:$0x3FAF]  }
0x29: {  	s4 =	sld [smem:$0x3FB1]  }
0x2a: {  	p0 =	seq.s32 s5, $0x0;
	s5 =	sld [smem:$0x3FB2]  }
0x2b: {  	s6 =	sld [smem:$0x3FB3]  }
0x2c: {  	s7 =	sld [smem:$0x3FB4]  }
0x2d: {  	s3 =	simm.s32 $0x108;
	s8 =	sld [smem:$0x3FB5]  }
0x2e: {  	s3 =	simm.s32 @!p0 $0x1082;
	s9 =	sld [smem:$0x3FB6]  }
0x2f: {  	lr =	sadd.s32 s0, s3;
	s0 =	sld [smem:$0x3FAD]  }
0x30: {  	s3 =	sld [smem:$0x3FB0]  }
0x31: {  	[smem:$0x3FB9] =	sst s10  }
0x32: {  	s10 =	sld [smem:$0x3FB7];
	_ =	sdelay $0x3  }
0x33: {  	p0 =	seq.s32 s10, $0x1;
	s10 =	sld [smem:$0x3FB9];
	_ =	sdelay $0x3  }
0x34: {  	[smem:$0x3FB9] =	sst s10  }
0x35: {  	s10 =	sld [smem:$0x3FB8];
	_ =	sdelay $0x3  }
0x36: {  	p1 =	seq.s32 s10, $0x1;
	s10 =	sld [smem:$0x3FB9];
	_ =	sdelay $0x3  }
0x37: {  	[smem:$0x3FB9] =	sst s10  }
0x38: {  	s10 =	sld [smem:$0x3FBA]  }
0x39: {  	_ = 	snop;
	(pc) =	sbr.ind lr, $3  }
0x3a: {  	_ = 	snop  }
0x3b: {  	_ = 	snop  }
0x3c: {  	p2 =	seq.s32 s10, $0x1;
	s10 =	sld [smem:$0x3FB9]  }
0x3d: {  	_ =	shalt  }
0x3e: {  	_ =	shalt  }
0x3f: {  	_ =	shalt  }
0x40: {  	_ =	shalt  }
0x41: {  	_ =	shalt  }
0x42: {  	_ =	shalt  }
0x43: {  	_ =	shalt  }
0x44: {  	_ =	shalt  }
0x45: {  	_ =	shalt  }
0x46: {  	_ =	shalt  }
0x47: {  	_ =	shalt  }
0x48: {  	_ =	shalt  }
0x49: {  	_ =	shalt  }
0x4a: {  	_ =	shalt  }
0x4b: {  	_ =	shalt  }
0x4c: {  	_ =	shalt  }
0x4d: {  	_ =	shalt  }
0x4e: {  	_ =	shalt  }
0x4f: {  	_ =	shalt  }
0x50: {  	_ =	shalt  }
0x51: {  	_ =	shalt  }
0x52: {  	_ =	shalt  }
0x53: {  	_ =	shalt  }
0x54: {  	_ =	shalt  }
0x55: {  	_ =	shalt  }
0x56: {  	_ =	shalt  }
0x57: {  	_ =	shalt  }
0x58: {  	_ =	shalt  }
0x59: {  	_ =	shalt  }
0x5a: {  	_ =	shalt  }
0x5b: {  	_ =	shalt  }
0x5c: {  	_ =	shalt  }
0x5d: {  	_ =	shalt  }
0x5e: {  	_ =	shalt  }
0x5f: {  	_ =	shalt  }
0x60: {  	_ =	shalt  }
0x61: {  	_ =	shalt  }
0x62: {  	_ =	shalt  }
0x63: {  	_ =	shalt  }
0x64: {  	_ =	shalt  }
0x65: {  	_ =	shalt  }
0x66: {  	_ =	shalt  }
0x67: {  	_ =	shalt  }
0x68: {  	_ =	shalt  }
0x69: {  	_ =	shalt  }
0x6a: {  	_ =	shalt  }
0x6b: {  	_ =	shalt  }
0x6c: {  	_ =	shalt  }
0x6d: {  	_ =	shalt  }
0x6e: {  	_ =	shalt  }
0x6f: {  	_ =	shalt  }
0x70: {  	_ =	shalt  }
0x71: {  	_ =	shalt  }
0x72: {  	_ =	shalt  }
0x73: {  	_ =	shalt  }
0x74: {  	_ =	shalt  }
0x75: {  	_ =	shalt  }
0x76: {  	_ =	shalt  }
0x77: {  	_ =	shalt  }
0x78: {  	_ =	shalt  }
0x79: {  	_ =	shalt  }
0x7a: {  	_ =	shalt  }
0x7b: {  	_ =	shalt  }
0x7c: {  	_ =	shalt  }
0x7d: {  	_ =	shalt  }
0x7e: {  	_ =	shalt  }
0x7f: {  	_ =	shalt  }
0x80: {  	_ =	shalt  }
0x81: {  	_ =	shalt  }
0x82: {  	_ =	shalt  }
0x83: {  	_ =	shalt  }
0x84: {  	_ =	shalt  }
0x85: {  	_ =	shalt  }
0x86: {  	_ =	shalt  }
0x87: {  	_ =	shalt  }
.Lfunc_end0:
.L_simem_size_0:
called_computation.1_lowered:
.L_overlay_start_0:
0x88: {  	s2 =	sld [smem:$0x3FD9]  }
0x89: {  	s3 =	sld [smem:$0x3FFE];
	_ =	sdelay $0x1  }
0x8a: {  	s1 =	srdreg.scid  }
0x8b: {  	s0 =	sand.u32 $0x1, s1  }
0x8c: {  	s16 =	sshll.u32 s0, $0xA;
	s2 =	sadd.s32 s3, s2  }
0x8d: {  	s2 =	sadd.s32 s2, s16  }
0x8e: {  	[smem:$0x3FC5] =	sst s2  }
0x8f: {  	_ = 	snop  }
0x90: {  	(tm) =	ssettm $0x1  }
0x91: {  	s17 =	sld [smem:$0x3FFB];
	_ =	sdelay $0x3  }
0x92: {  	_ =	strace s17  }
0x93: {  	s2 =	sld [smem:$0x3FFC];
	_ =	sdelay $0x3  }
0x94: {  	_ =	strace s2  }
0x95: {  	s2 =	sld [smem:$0x3FFD];
	_ =	sdelay $0x3  }
0x96: {  	_ =	strace s2  }
0x97: {  	_ =	strace $0x8FFFFFFF  }
0x98: {  	s18 =	sld [smem:$0x3FDB];
	_ =	sdelay $0x1  }
0x99: {  	s19 =	simm.s32 $_scs_section_size  }
0x9a: {  	s4 =	simm.s32 $_size__tile_overlayer_lowered;
	s5 =	simm.s32 $_tile_overlayer_lowered  }
0x9b: {  	s22 =	simm.s32 $0x1BFF;
	s21 =	sshll.u32 s5, $0x1;
	s2 =	sadd.s32 s19, s18  }
0x9c: {  	s6 =	simm.s32 $0x0;
	s20 =	sshll.u32 s4, $0x1;
	s4 =	sadd.s32 s21, s2  }
0x9d: {  	[timem:s6], [sflag:s22] =	dma.local [hbm:s4], s20  }
0x9e: {  	_ =	swait.ge [sflag:s22], s20  }
0x9f: {  	s3 =	ssub.s32 $0x0, s20;
	[sflag:s22] =	ssyncset.done $0x0  }
0xa0: {  	[sflag:s22] =	ssyncadd.s32 s3;
	_ =	sdelay $0x1  }
0xa1: {  	s23 =	simm.s32 $0x1B8B  }
0xa2: {  	_ =	swait.ge [sflag:s23], $0x1  }
0xa3: {  	[sflag:s23] =	ssyncset.done $0x0  }
0xa4: {  	s25 =	simm.s32 $0x1B8E;
	s24 =	sld [smem:$0x3FFE];
	[sflag:s23] =	ssyncadd.s32 $0xFFFFFFFF  }
0xa5: {  	s26 =	simm.s32 $execute0_lowered;
	[smem:$0x3FD2] =	sst s25  }
0xa6: {  	s4 =	sshll.u32 s26, $0x1;
	_ =	strace $0x80000049;
	[dreg:$0x1] =	wrdreg $0xFFFFFFFF  }
0xa7: {  	s28 =	simm.s32 $_size_execute0_lowered;
	s2 =	sadd.s32 s2, s4;
	[dreg:$0x0] =	wrdreg $0x0  }
0xa8: {  	s4 =	sshll.u32 s28, $0x1;
	[dreg:$0x2] =	wrdreg s2  }
0xa9: {  	[dreg:$0x3] =	wrdreg s4  }
0xaa: {  	[dreg:$0x4] =	wrdreg $0xC0  }
0xab: {  	_ =	task [dreg:s6], $0x5FFFF  }
0xac: {  	[dreg:$0x1] =	wrdreg $0xFFFFFFFF  }
0xad: {  	[dreg:$0x0] =	wrdreg $0x60  }
0xae: {  	[dreg:$0x2] =	wrdreg s24  }
0xaf: {  	[dreg:$0x3] =	wrdreg $0x9  }
0xb0: {  	_ =	task.clear_ibuf [dreg:s6], $0x4FFFF;
	_ =	strace $0x90000049  }
0xb1: {  	s29 =	simm.s32 $0x9;
	_ =	strace $0x8000004B  }
0xb2: {  	_ =	swait.ge [sflag:s29], $0x1  }
0xb3: {  	[sflag:s29] =	ssyncadd.s32 $0xFFFFFFFF  }
0xb4: {  	_ =	strace $0x9000004B  }
0xb5: {  	_ =	sfence  }
0xb6: {  	s30 =	sld [smem:$0x0];
	_ =	sdelay $0x2  }
0xb7: {  	s31 =	sshll.u32 s1, $0xD;
	s1 =	sshrl.u32 s1, $0x2  }
0xb8: {  	s3 =	sand.u32 $0x4000, s31;
	s1 =	sadd.s32 s1, s30  }
0xb9: {  	s0 =	sor.u32 s3, s0;
	s1 =	sshll.u32 s1, $0x11  }
0xba: {  	s0 =	sor.u32 s1, s0  }
0xbb: {  	s0 =	sadd.s32 $0x8F2B, s0  }
0xbc: {  	[sflag:s0] =	ssyncadd.remote.s32 $0x1  }
0xbd: {  	_ =	sfence.sel $0xFFFF  }
0xbe: {  	[dreg:$0x0] =	wrdreg $0xFFFFFFFF;
	(pc) =	sbr.abs _section_cstart, $3  }
0xbf: {  	[dreg:$0x1] =	wrdreg $0xFFFFFFFF  }
0xc0: {  	_ =	task.clear_ibuf [dreg:s6], $0x2FFFF;
	_ =	strace $0x9FFFFFFF  }
0xc1: {  	(tm) =	ssettm $0x7FFFFFFF  }
tec
execute0_lowered:
.L_overlay_start_1:
0x0: {  	(tag) =	ssettag $0x1  }
0x1: {  	s1 =	srdreg.scid;
	s0 =	stileid.u32  }
0x2: {  	s28 =	sand.u32 $0x1, s1;
	s31 =	sshll.u32 s0, $0x1  }
0x3: {  	s29 =	sor.u32 s28, s31  }
0x4: {  	s26 =	rddreg [dreg:$0x0];
	s3 =	smul.u32 $0xA0, s29  }
0x5: {  	s2 =	simm.s32 $0x0;
	s1 =	rddreg [dreg:$0x1]  }
0x6: {  	[smem:$0x7FF] =	sst s2;
	s3 =	sadd.s32 s3, s26  }
0x7: {  	_ =	strace $0x8000004A;
	s4 =	sadd.s32 $0x5A00, s3;
	s3 =	simm.s32 $0x2  }
0x8: {  	[tilespmem:s2], [sflag:$0x2] =	stream.linear.gather [hbm4b:s4+s2], $0x500, $0x38;
	[tilespmem:$0x14500] =	vst v63  }
0x9: {  	_ =	swait.ge [sflag:s3], $0x500  }
0xa: {  	s6 =	simm.s32 $0x80;
	[sflag:s3] =	ssyncset.done $0x0  }
0xb: {  	s7 =	simm.s32 $0x500;
	s5 =	sadd.s32 $0xDC9A00, s26;
	[sflag:s3] =	ssyncadd.s32 $0xFFFFFB00  }
0xc: {  	[tilespmem:s7], [sflag:$0x1] =	stream.indirect.gather [hbm4b:s5+s6], $0x40, s2, s6, $0xb8;
	[tilespmem:$0x14500] =	vst v63  }
0xd: {  	s8 =	simm.s32 $0x2500  }
0xe: {  	[tilespmem:s8], [sflag:$0x1] =	stream.indirect.gather [hbm4b:s5+s6], $0x40, s6, s6, $0xb8;
	[tilespmem:$0x14500] =	vst v63  }
0xf: {  	s9 =	simm.s32 $0x100;
	s10 =	simm.s32 $0x4500  }
0x10: {  	[tilespmem:s10], [sflag:$0x1] =	stream.indirect.gather [hbm4b:s5+s6], $0x40, s9, s6, $0xb8;
	[tilespmem:$0x14500] =	vst v63  }
0x11: {  	s11 =	simm.s32 $0x180;
	s12 =	simm.s32 $0x6500  }
0x12: {  	[tilespmem:s12], [sflag:$0x1] =	stream.indirect.gather [hbm4b:s5+s6], $0x40, s11, s6, $0xb8;
	[tilespmem:$0x14500] =	vst v63  }
0x13: {  	s13 =	simm.s32 $0x200;
	s14 =	simm.s32 $0x8500  }
0x14: {  	[tilespmem:s14], [sflag:$0x1] =	stream.indirect.gather [hbm4b:s5+s6], $0x40, s13, s6, $0xb8;
	[tilespmem:$0x14500] =	vst v63  }
0x15: {  	s15 =	simm.s32 $0x280;
	s16 =	simm.s32 $0xA500  }
0x16: {  	[tilespmem:s16], [sflag:$0x1] =	stream.indirect.gather [hbm4b:s5+s6], $0x40, s15, s6, $0xb8;
	[tilespmem:$0x14500] =	vst v63  }
0x17: {  	s17 =	simm.s32 $0x300;
	s18 =	simm.s32 $0xC500  }
0x18: {  	[tilespmem:s18], [sflag:$0x1] =	stream.indirect.gather [hbm4b:s5+s6], $0x40, s17, s6, $0xb8;
	[tilespmem:$0x14500] =	vst v63  }
0x19: {  	s19 =	simm.s32 $0x380;
	s20 =	simm.s32 $0xE500  }
0x1a: {  	[tilespmem:s20], [sflag:$0x1] =	stream.indirect.gather [hbm4b:s5+s6], $0x40, s19, s6, $0xb8;
	[tilespmem:$0x14500] =	vst v63  }
0x1b: {  	s21 =	simm.s32 $0x400;
	s22 =	simm.s32 $0x10500  }
0x1c: {  	[tilespmem:s22], [sflag:$0x1] =	stream.indirect.gather [hbm4b:s5+s6], $0x40, s21, s6, $0xb8;
	[tilespmem:$0x14500] =	vst v63  }
0x1d: {  	s23 =	simm.s32 $0x480;
	s24 =	simm.s32 $0x12500;
	s25 =	simm.s32 $0x1  }
0x1e: {  	[tilespmem:s24], [sflag:$0x1] =	stream.indirect.gather [hbm4b:s5+s6], $0x40, s23, s6, $0xb8;
	[tilespmem:$0x14500] =	vst v63  }
0x1f: {  	_ =	swait.ge [sflag:s25], $0x2000  }
0x20: {  	[sflag:s25] =	ssyncset.done $0x0  }
0x21: {  	[sflag:s25] =	ssyncadd.s32 $0xFFFFE000  }
0x22: {  	_ =	swait.ge [sflag:s25], $0x2000  }
0x23: {  	[sflag:s25] =	ssyncset.done $0x0  }
0x24: {  	[sflag:s25] =	ssyncadd.s32 $0xFFFFE000  }
0x25: {  	_ =	swait.ge [sflag:s25], $0x2000  }
0x26: {  	[sflag:s25] =	ssyncset.done $0x0  }
0x27: {  	[sflag:s25] =	ssyncadd.s32 $0xFFFFE000  }
0x28: {  	_ =	swait.ge [sflag:s25], $0x2000  }
0x29: {  	[sflag:s25] =	ssyncset.done $0x0  }
0x2a: {  	[sflag:s25] =	ssyncadd.s32 $0xFFFFE000  }
0x2b: {  	_ =	swait.ge [sflag:s25], $0x2000  }
0x2c: {  	[sflag:s25] =	ssyncset.done $0x0  }
0x2d: {  	[sflag:s25] =	ssyncadd.s32 $0xFFFFE000  }
0x2e: {  	_ =	swait.ge [sflag:s25], $0x2000  }
0x2f: {  	[sflag:s25] =	ssyncset.done $0x0  }
0x30: {  	[sflag:s25] =	ssyncadd.s32 $0xFFFFE000  }
0x31: {  	_ =	swait.ge [sflag:s25], $0x2000  }
0x32: {  	[sflag:s25] =	ssyncset.done $0x0  }
0x33: {  	[sflag:s25] =	ssyncadd.s32 $0xFFFFE000  }
0x34: {  	_ =	swait.ge [sflag:s25], $0x2000  }
0x35: {  	[sflag:s25] =	ssyncset.done $0x0  }
0x36: {  	s28 =	ssub.s32 $0x2, s28;
	[sflag:s25] =	ssyncadd.s32 $0xFFFFE000  }
0x37: {  	s30 =	sshrl.u32 s28, $0x1;
	_ =	swait.ge [sflag:s25], $0x2000  }
0x38: {  	s28 =	ssub.s32 s28, s30;
	[sflag:s25] =	ssyncset.done $0x0  }
0x39: {  	s29 =	smul.u32 $0x2800, s29;
	s28 =	smax.u32 s28, $0x1;
	[sflag:s25] =	ssyncadd.s32 $0xFFFFE000  }
0x3a: {  	p0 =	sne.s32 s28, $0x1;
	_ =	swait.ge [sflag:s25], $0x2000  }
.Ltmp0:
0x3b: {  	s26 =	sadd.s32 s29, s26;
	[sflag:s25] =	ssyncset.done $0x0;
	(pc) =	sbr.rel @!p0 .LBB2_2-.Ltmp0, $4  }
0x3c: {  	s26 =	sadd.s32 $0x6E00, s26;
	[sflag:s25] =	ssyncadd.s32 $0xFFFFE000  }
0x3d: {  	[hbm4b:s26+s2] =	stream.linear.scatter [tilespmem:s7], [sflag:$0x2], $0x14000, $0x38;
	[tilespmem:$0x14500] =	vst v63  }
0x3e: {  	_ =	swait.ge [sflag:s3], $0x14000  }
0x3f: {  	s28 =	sadd.s32 $0xFFFFFFFF, s28;
	[sflag:s3] =	ssyncset.done $0x0  }
.LBB2_1:
0x40: {  	p0 =	sne.s32 s28, $0x1;
	s28 =	sadd.s32 $0xFFFFFFFF, s28;
	[sflag:s3] =	ssyncadd.s32 $0xFFFEC000  }
0x41: {  	[tilespmem:s2], [sflag:$0x2] =	stream.linear.gather [hbm4b:s4+s2], $0x500, $0x38;
	[tilespmem:$0x14500] =	vst v63  }
0x42: {  	_ =	swait.ge [sflag:s3], $0x500  }
0x43: {  	[sflag:s3] =	ssyncset.done $0x0  }
0x44: {  	[sflag:s3] =	ssyncadd.s32 $0xFFFFFB00  }
0x45: {  	[tilespmem:s7], [sflag:$0x1] =	stream.indirect.gather [hbm4b:s5+s6], $0x40, s2, s6, $0xb8;
	[tilespmem:$0x14500] =	vst v63  }
0x46: {  	_ = 	snop  }
0x47: {  	[tilespmem:s8], [sflag:$0x1] =	stream.indirect.gather [hbm4b:s5+s6], $0x40, s6, s6, $0xb8;
	[tilespmem:$0x14500] =	vst v63  }
0x48: {  	_ = 	snop  }
0x49: {  	[tilespmem:s10], [sflag:$0x1] =	stream.indirect.gather [hbm4b:s5+s6], $0x40, s9, s6, $0xb8;
	[tilespmem:$0x14500] =	vst v63  }
0x4a: {  	_ = 	snop  }
0x4b: {  	[tilespmem:s12], [sflag:$0x1] =	stream.indirect.gather [hbm4b:s5+s6], $0x40, s11, s6, $0xb8;
	[tilespmem:$0x14500] =	vst v63  }
0x4c: {  	_ = 	snop  }
0x4d: {  	[tilespmem:s14], [sflag:$0x1] =	stream.indirect.gather [hbm4b:s5+s6], $0x40, s13, s6, $0xb8;
	[tilespmem:$0x14500] =	vst v63  }
0x4e: {  	_ = 	snop  }
0x4f: {  	[tilespmem:s16], [sflag:$0x1] =	stream.indirect.gather [hbm4b:s5+s6], $0x40, s15, s6, $0xb8;
	[tilespmem:$0x14500] =	vst v63  }
0x50: {  	_ = 	snop  }
0x51: {  	[tilespmem:s18], [sflag:$0x1] =	stream.indirect.gather [hbm4b:s5+s6], $0x40, s17, s6, $0xb8;
	[tilespmem:$0x14500] =	vst v63  }
0x52: {  	_ = 	snop  }
0x53: {  	[tilespmem:s20], [sflag:$0x1] =	stream.indirect.gather [hbm4b:s5+s6], $0x40, s19, s6, $0xb8;
	[tilespmem:$0x14500] =	vst v63  }
0x54: {  	_ = 	snop  }
0x55: {  	[tilespmem:s22], [sflag:$0x1] =	stream.indirect.gather [hbm4b:s5+s6], $0x40, s21, s6, $0xb8;
	[tilespmem:$0x14500] =	vst v63  }
0x56: {  	_ = 	snop  }
0x57: {  	[tilespmem:s24], [sflag:$0x1] =	stream.indirect.gather [hbm4b:s5+s6], $0x40, s23, s6, $0xb8;
	[tilespmem:$0x14500] =	vst v63  }
0x58: {  	_ =	swait.ge [sflag:s25], $0x2000  }
0x59: {  	[sflag:s25] =	ssyncset.done $0x0  }
0x5a: {  	[sflag:s25] =	ssyncadd.s32 $0xFFFFE000  }
0x5b: {  	_ =	swait.ge [sflag:s25], $0x2000  }
0x5c: {  	[sflag:s25] =	ssyncset.done $0x0  }
0x5d: {  	[sflag:s25] =	ssyncadd.s32 $0xFFFFE000  }
0x5e: {  	_ =	swait.ge [sflag:s25], $0x2000  }
0x5f: {  	[sflag:s25] =	ssyncset.done $0x0  }
0x60: {  	[sflag:s25] =	ssyncadd.s32 $0xFFFFE000  }
0x61: {  	_ =	swait.ge [sflag:s25], $0x2000  }
0x62: {  	[sflag:s25] =	ssyncset.done $0x0  }
0x63: {  	[sflag:s25] =	ssyncadd.s32 $0xFFFFE000  }
0x64: {  	_ =	swait.ge [sflag:s25], $0x2000  }
0x65: {  	[sflag:s25] =	ssyncset.done $0x0  }
0x66: {  	[sflag:s25] =	ssyncadd.s32 $0xFFFFE000  }
0x67: {  	_ =	swait.ge [sflag:s25], $0x2000  }
0x68: {  	[sflag:s25] =	ssyncset.done $0x0  }
0x69: {  	[sflag:s25] =	ssyncadd.s32 $0xFFFFE000  }
0x6a: {  	_ =	swait.ge [sflag:s25], $0x2000  }
0x6b: {  	[sflag:s25] =	ssyncset.done $0x0  }
0x6c: {  	[sflag:s25] =	ssyncadd.s32 $0xFFFFE000  }
0x6d: {  	_ =	swait.ge [sflag:s25], $0x2000  }
0x6e: {  	[sflag:s25] =	ssyncset.done $0x0  }
0x6f: {  	[sflag:s25] =	ssyncadd.s32 $0xFFFFE000  }
0x70: {  	_ =	swait.ge [sflag:s25], $0x2000  }
0x71: {  	[sflag:s25] =	ssyncset.done $0x0  }
0x72: {  	[sflag:s25] =	ssyncadd.s32 $0xFFFFE000  }
0x73: {  	_ =	swait.ge [sflag:s25], $0x2000  }
.Ltmp1:
0x74: {  	[sflag:s25] =	ssyncset.done $0x0;
	(pc) =	sbr.rel @p0 .LBB2_1-.Ltmp1, $4  }
0x75: {  	[sflag:s25] =	ssyncadd.s32 $0xFFFFE000  }
0x76: {  	[hbm4b:s26+s2] =	stream.linear.scatter [tilespmem:s7], [sflag:$0x2], $0x14000, $0x38;
	[tilespmem:$0x14500] =	vst v63  }
0x77: {  	_ =	swait.ge [sflag:s3], $0x14000  }
0x78: {  	[sflag:s3] =	ssyncset.done $0x0  }
.LBB2_2:
0x79: {  	[sflag:s3] =	ssyncadd.s32 $0xFFFEC000  }
0x7a: {  	_ =	sfence.sel $0x180000  }
0x7b: {  	[bflag:$0x0] =	sbarrier.arrive $0xFFFF  }
0x7c: {  	p0 =	sne.s32 s0, $0x0;
	_ =	strace $0x9000004A  }
0x7d: {  	s0 =	sadd.s32 @!p0 $0x100000, s1;
	[bflag:$0x2] =	sbarrier.arrive $0xFFFF  }
0x7e: {  	[sflag:s0] =	ssyncadd.tile.s32 @!p0 $0x1;
	_ =	shalt  }
.Lfunc_end2:
_tile_overlayer_lowered:
.L_overlay_start_2:
0x7f: {  	(tag) =	ssettag $0x2  }
0x80: {  	s0 =	rddreg [dreg:$0x0];
	s2 =	stileid.u32  }
0x81: {  	s1 =	rddreg [dreg:$0x1];
	p0 =	sne.s32 s2, $0x0  }
0x82: {  	s3 =	rddreg [dreg:$0x2];
	[bflag:$0x3] =	sbarrier.arrive $0xFFFF;
	s2 =	simm.s32 @!p0 $0x1C02  }
0x83: {  	[timem:s3], [sflag:s2] =	dma.local @!p0 [hbm:s0], s1  }
0x84: {  	s0 =	simm.s32 @!p0 $0x2  }
0x85: {  	_ =	swait.ge @!p0 [sflag:s0], s1  }
0x86: {  	s1 =	ssub.s32 @!p0 $0x0, s1;
	[sflag:s0] =	ssyncset.done @!p0 $0x0  }
0x87: {  	[sflag:s0] =	ssyncadd.s32 @!p0 s1  }
0x88: {  	[bflag:$0x3] =	sbarrier.arrive $0xFFFF  }
0x89: {  	_ =	shalt  }

// kernel: sparse-core-data-format-call.cloned.1.call-start
scs
called_computation_lowered:
.L_overlay_start_0:
0x0: {  	s1 =	sld [smem:$0x3FD9]  }
0x1: {  	s2 =	sld [smem:$0x3FFE];
	_ =	sdelay $0x1  }
0x2: {  	s3 =	srdreg.scid  }
0x3: {  	s0 =	sand.u32 $0x1, s3  }
0x4: {  	s17 =	sshll.u32 s0, $0xA;
	s1 =	sadd.s32 s2, s1  }
0x5: {  	s1 =	sadd.s32 s1, s17  }
0x6: {  	[smem:$0x3FC5] =	sst s1  }
0x7: {  	_ = 	snop  }
0x8: {  	(tm) =	ssettm $0x1  }
0x9: {  	s18 =	sld [smem:$0x3FFB];
	_ =	sdelay $0x3  }
0xa: {  	_ =	strace s18  }
0xb: {  	s1 =	sld [smem:$0x3FFC];
	_ =	sdelay $0x3  }
0xc: {  	_ =	strace s1  }
0xd: {  	s1 =	sld [smem:$0x3FFD];
	_ =	sdelay $0x3  }
0xe: {  	_ =	strace s1  }
0xf: {  	_ =	strace $0x8FFFFFFF  }
0x10: {  	s19 =	sld [smem:$0x3FDB];
	_ =	sdelay $0x1  }
0x11: {  	s20 =	simm.s32 $_scs_section_size  }
0x12: {  	s4 =	simm.s32 $_size__tile_overlayer_lowered;
	s5 =	simm.s32 $_tile_overlayer_lowered  }
0x13: {  	s23 =	simm.s32 $0x1BFF;
	s22 =	sshll.u32 s5, $0x1;
	s1 =	sadd.s32 s20, s19  }
0x14: {  	s6 =	simm.s32 $0x0;
	s21 =	sshll.u32 s4, $0x1;
	s4 =	sadd.s32 s22, s1  }
0x15: {  	[timem:s6], [sflag:s23] =	dma.local [hbm:s4], s21  }
0x16: {  	_ =	swait.ge [sflag:s23], s21  }
0x17: {  	s2 =	ssub.s32 $0x0, s21;
	[sflag:s23] =	ssyncset.done $0x0  }
0x18: {  	[sflag:s23] =	ssyncadd.s32 s2;
	_ =	sdelay $0x1  }
0x19: {  	s24 =	simm.s32 $0x1B8B  }
0x1a: {  	_ =	swait.ge [sflag:s24], $0x1  }
0x1b: {  	[sflag:s24] =	ssyncset.done $0x0  }
0x1c: {  	s26 =	simm.s32 $0x1B8E;
	s25 =	sld [smem:$0x3FFE];
	[sflag:s24] =	ssyncadd.s32 $0xFFFFFFFF  }
0x1d: {  	s27 =	simm.s32 $execute0_lowered;
	[smem:$0x3FD2] =	sst s26  }
0x1e: {  	s4 =	sshll.u32 s27, $0x1;
	_ =	strace $0x80000046;
	[dreg:$0x1] =	wrdreg $0xFFFFFFFF  }
0x1f: {  	s28 =	simm.s32 $_size_execute0_lowered;
	s1 =	sadd.s32 s1, s4;
	[dreg:$0x0] =	wrdreg $0x0  }
0x20: {  	s4 =	sshll.u32 s28, $0x1;
	[dreg:$0x2] =	wrdreg s1  }
0x21: {  	[dreg:$0x3] =	wrdreg s4  }
0x22: {  	[dreg:$0x4] =	wrdreg $0xC0  }
0x23: {  	_ =	task [dreg:s6], $0x5FFFF  }
0x24: {  	[dreg:$0x1] =	wrdreg $0xFFFFFFFF  }
0x25: {  	[dreg:$0x0] =	wrdreg $0x60  }
0x26: {  	[dreg:$0x2] =	wrdreg s25  }
0x27: {  	[dreg:$0x3] =	wrdreg $0x9  }
0x28: {  	_ =	task.clear_ibuf [dreg:s6], $0x4FFFF;
	_ =	strace $0x90000046  }
0x29: {  	s29 =	simm.s32 $0x9;
	_ =	strace $0x80000048  }
0x2a: {  	_ =	swait.ge [sflag:s29], $0x1  }
0x2b: {  	[sflag:s29] =	ssyncadd.s32 $0xFFFFFFFF  }
0x2c: {  	_ =	strace $0x90000048  }
0x2d: {  	_ =	sfence  }
0x2e: {  	s30 =	sld [smem:$0x0];
	_ =	sdelay $0x2  }
0x2f: {  	s31 =	sshll.u32 s3, $0xD;
	s3 =	sshrl.u32 s3, $0x2  }
0x30: {  	s2 =	sand.u32 $0x4000, s31;
	s1 =	sadd.s32 s3, s30  }
0x31: {  	s0 =	sor.u32 s2, s0;
	s1 =	sshll.u32 s1, $0x11  }
0x32: {  	s0 =	sor.u32 s1, s0  }
0x33: {  	s0 =	sadd.s32 $0x8F2B, s0  }
0x34: {  	[sflag:s0] =	ssyncadd.remote.s32 $0x1  }
0x35: {  	_ =	sfence.sel $0xFFFF  }
0x36: {  	[dreg:$0x0] =	wrdreg $0xFFFFFFFF;
	(pc) =	sbr.abs _section_cstart, $3  }
0x37: {  	[dreg:$0x1] =	wrdreg $0xFFFFFFFF  }
0x38: {  	_ =	task.clear_ibuf [dreg:s6], $0x2FFFF;
	_ =	strace $0x9FFFFFFF  }
0x39: {  	(tm) =	ssettm $0x7FFFFFFF  }
tec
execute0_lowered:
.L_overlay_start_1:
0x0: {  	(tag) =	ssettag $0x1  }
0x1: {  	s1 =	rddreg [dreg:$0x0]  }
0x2: {  	s0 =	rddreg [dreg:$0x1]  }
0x3: {  	_ =	strace $0x80000047;
	s4 =	srdreg.scid;
	s6 =	simm.s32 $0x2  }
0x4: {  	s11 =	simm.s32 $0x0;
	p0 =	por $0x0, $0x0;
	s7 =	simm.s32 $0x18800  }
.Ltmp0:
0x5: {  	s12 =	simm.s32 $0x0;
	s9 =	simm.s32 $0x0;
	(pc) =	sbr.rel .LBB1_1-.Ltmp0, $4  }
0x6: {  	s2 =	sadd.s32 $0x189A00, s1;
	s3 =	sadd.s32 $0xDC9A00, s1;
	s5 =	sshll.u32 s4, $0x4  }
0x7: {  	s1 =	stileid.u32;
	s4 =	simm.s32 $0x1;
	s5 =	sand.u32 $0x10, s5  }
0x8: {  	s8 =	simm.s32 $0x0;
	[sflag:s4] =	ssyncpa.u1 $0x0;
	s5 =	sor.u32 s1, s5  }
0x9: {  	[sflag:s6] =	ssyncpa.u1 $0x0;
	s6 =	simm.s32 $0x800;
	s10 =	smov.u32 s5  }
.LBB1_7:
0xa: {  	s13 =	sadd.s32 $0x10, s9  }
0xb: {  	s11 =	sadd.s32 $0x20, s10;
	s15 =	smov.u32 s10;
	p2 =	sgt.s32 s13, $0x30F  }
0xc: {  	p1 =	slt.u32 s8, $0x2;
	s15 =	smov.u32 @p2 s11  }
0xd: {  	s8 =	sadd.s32 $0x1, s8;
	s13 =	simm.s32 @p2 $0x0;
	p2 =	sgt.s32 s15, $0x7F  }
0xe: {  	s15 =	smov.u32 @p2 s5;
	p2 =	sne.s32 s8, $0xC6  }
.Ltmp1:
0xf: {  	_ = 	snop;
	(pc) =	sbr.rel @!p2 .LBB1_8-.Ltmp1, $4  }
0x10: {  	s14 =	simm.s32 @!p1 $0x2  }
0x11: {  	s12 =	smov.u32 s10;
	_ =	swait.ge @!p1 [sflag:s14], $0x4000  }
0x12: {  	p0 =	por !p0, !p0;
	s11 =	smov.u32 s9;
	[sflag:s14] =	ssyncset.done @!p1 $0x0  }
0x13: {  	s9 =	smov.u32 s13;
	[sflag:s14] =	ssyncadd.s32 @!p1 $0xFFFFC000;
	s10 =	smov.u32 s15  }
.LBB1_1:
0x14: {  	p1 =	sgt.u32 s8, $0xC3  }
0x15: {  	s13 =	smul.u32 @!p1 $0x18800, s10  }
0x16: {  	s14 =	sxor.u32 @!p1 $0xFFFFFFFF, s8  }
0x17: {  	s15 =	sshll.u32 @!p1 s9, $0x7;
	s14 =	sshll.u32 @!p1 s14, $0xE;
	s13 =	sadd.s32 @!p1 s2, s13  }
0x18: {  	s14 =	sand.u32 @!p1 $0x4000, s14;
	s13 =	sadd.s32 @!p1 s15, s13;
	s15 =	simm.s32 @!p1 $0x0  }
0x19: {  	[tilespmem:s14], [sflag:$0x1] =	stream.linear.gather @!p1 [hbm4b:s13+s15], $0x4000, $0x38;
	[tilespmem:$0x10000] =	vst v63  }
0x1a: {  	p1 =	seq.s32 s8, $0x0  }
0x1b: {  	p2 =	seq.s32 @!p1 s8, $0xC5  }
0x1c: {  	p1 =	por p1, p2  }
.Ltmp2:
0x1d: {  	_ = 	snop;
	(pc) =	sbr.rel @p1 .LBB1_7-.Ltmp2, $1  }
0x1e: {  	_ =	sdelay $0x3  }
0x1f: {  	s13 =	simm.s32 $0x1;
	_ =	swait.ge [sflag:s4], $0x4000;
	s16 =	sshll.u32 s8, $0xE  }
0x20: {  	s13 =	simm.s32 @!p0 $0x0;
	[sflag:s4] =	ssyncset.done $0x0;
	s31 =	sand.u32 $0x4000, s16  }
0x21: {  	s16 =	simm.s32 $0x0;
	s13 =	sshll.u32 s13, $0xE;
	[sflag:s4] =	ssyncadd.s32 $0xFFFFC000  }
0x22: {  	s14 =	sor.u32 $0x8040, s13;
	s15 =	sor.u32 $0x40, s13;
	s13 =	sor.u32 $0x8000, s31  }
.LBB1_3:
0x23: {  	v0 =	vmov s15;
	_ =	sdelay $0x3  }
0x24: {  	s18 =	simm.s32 $0x0  }
0x25: {  	v6 =	vld.idx.msk [tilespmem:v0+s18+$0x30 ss:$0x1], $0xffff  }
0x26: {  	v7 =	vld.idx.msk [tilespmem:v0+s18+$0xFFFFFFC0 ss:$0x1], $0xffff  }
0x27: {  	v5 =	vld.idx.msk [tilespmem:v0+s18+$0xFFFFFFD0 ss:$0x1], $0xffff  }
0x28: {  	v4 =	vld.idx.msk [tilespmem:v0+s18+$0xFFFFFFE0 ss:$0x1], $0xffff  }
0x29: {  	v3 =	vld.idx.msk [tilespmem:v0+s18+$0xFFFFFFF0 ss:$0x1], $0xffff  }
0x2a: {  	v1 =	vld.idx.msk [tilespmem:v0+s18+$0x0 ss:$0x1], $0xffff  }
0x2b: {  	v2 =	vld.idx.msk [tilespmem:v0+s18+$0x10 ss:$0x1], $0xffff;
	[tilespmem:s14+$0x30] =	vst v6  }
0x2c: {  	s17 =	simm.s32 $0x80;
	s19 =	simm.s32 $0x400;
	[tilespmem:s14+$0xFFFFFFC0] =	vst v7;
	v6 =	vld.idx.msk [tilespmem:v0+s18+$0x20 ss:$0x1], $0xffff;
	s18 =	smov.u32 s14  }
.LBB1_4:
0x2d: {  	p1 =	sne.s32 s19, $0xE00;
	v7 =	vld.idx.msk [tilespmem:v0+s17+$0x30 ss:$0x1], $0xffff;
	[tilespmem:s18+$0xFFFFFFD0] =	vst v5  }
0x2e: {  	v8 =	vld.idx.msk [tilespmem:v0+s17+$0xFFFFFFC0 ss:$0x1], $0xffff;
	[tilespmem:s18+$0xFFFFFFE0] =	vst v4  }
0x2f: {  	v5 =	vld.idx.msk [tilespmem:v0+s17+$0xFFFFFFD0 ss:$0x1], $0xffff;
	[tilespmem:s18+$0xFFFFFFF0] =	vst v3  }
.Ltmp3:
0x30: {  	v4 =	vld.idx.msk [tilespmem:v0+s17+$0xFFFFFFE0 ss:$0x1], $0xffff;
	[tilespmem:s18+$0x0] =	vst v1;
	(pc) =	sbr.rel @p1 .LBB1_4-.Ltmp3, $4  }
0x31: {  	v3 =	vld.idx.msk [tilespmem:v0+s17+$0xFFFFFFF0 ss:$0x1], $0xffff;
	[tilespmem:s18+$0x10] =	vst v2  }
0x32: {  	v1 =	vld.idx.msk [tilespmem:v0+s17+$0x0 ss:$0x1], $0xffff;
	[tilespmem:s18+$0x20] =	vst v6;
	s18 =	sadd.s32 $0x800, s18  }
0x33: {  	v2 =	vld.idx.msk [tilespmem:v0+s17+$0x10 ss:$0x1], $0xffff;
	[tilespmem:s18+$0x30] =	vst v7  }
0x34: {  	[tilespmem:s18+$0xFFFFFFC0] =	vst v8;
	v6 =	vld.idx.msk [tilespmem:v0+s17+$0x20 ss:$0x1], $0xffff;
	s17 =	sshra.s32 s19, $0x2;
	s19 =	sadd.s32 $0x200, s19  }
0x35: {  	_ =	sdelay $0x2  }
0x36: {  	[tilespmem:s18+$0xFFFFFFD0] =	vst v5  }
0x37: {  	v56 =	vld.idx.msk [tilespmem:v0+s17+$0x30 ss:$0x1], $0xffff;
	[tilespmem:s18+$0xFFFFFFE0] =	vst v4  }
0x38: {  	v57 =	vld.idx.msk [tilespmem:v0+s17+$0xFFFFFFC0 ss:$0x1], $0xffff;
	[tilespmem:s18+$0xFFFFFFF0] =	vst v3  }
0x39: {  	v58 =	vld.idx.msk [tilespmem:v0+s17+$0xFFFFFFD0 ss:$0x1], $0xffff;
	[tilespmem:s18+$0x0] =	vst v1  }
0x3a: {  	v59 =	vld.idx.msk [tilespmem:v0+s17+$0xFFFFFFE0 ss:$0x1], $0xffff;
	[tilespmem:s18+$0x10] =	vst v2  }
0x3b: {  	v60 =	vld.idx.msk [tilespmem:v0+s17+$0xFFFFFFF0 ss:$0x1], $0xffff;
	s31 =	sadd.s32 $0x800, s18;
	[tilespmem:s18+$0x20] =	vst v6  }
0x3c: {  	v61 =	vld.idx.msk [tilespmem:v0+s17+$0x0 ss:$0x1], $0xffff;
	[tilespmem:s31+$0x30] =	vst v56  }
0x3d: {  	v62 =	vld.idx.msk [tilespmem:v0+s17+$0x10 ss:$0x1], $0xffff;
	s16 =	sadd.s32 $0x1, s16;
	[tilespmem:s31+$0xFFFFFFC0] =	vst v57  }
0x3e: {  	v63 =	vld.idx.msk [tilespmem:v0+s17+$0x20 ss:$0x1], $0xffff;
	p1 =	sne.s32 s16, $0x10;
	[tilespmem:s31+$0xFFFFFFD0] =	vst v58  }
.Ltmp4:
0x3f: {  	[tilespmem:s31+$0xFFFFFFE0] =	vst v59;
	(pc) =	sbr.rel @p1 .LBB1_3-.Ltmp4, $4  }
0x40: {  	[tilespmem:s31+$0xFFFFFFF0] =	vst v60  }
0x41: {  	[tilespmem:s31+$0x0] =	vst v61  }
0x42: {  	[tilespmem:s31+$0x10] =	vst v62  }
0x43: {  	s14 =	sadd.s32 $0x80, s14;
	s15 =	sadd.s32 $0x400, s15;
	[tilespmem:s31+$0x20] =	vst v63  }
0x44: {  	s11 =	sand.u32 $0x1FFFFFF, s11  }
0x45: {  	s14 =	smulhi.u32 $0x14E5E0B, s11;
	_ =	sdelay $0x1  }
0x46: {  	s12 =	smul.u32 $0x18800, s12;
	s14 =	sshrl.u32 s14, $0x2  }
0x47: {  	s14 =	smul.u32 $0x310, s14  }
.Ltmp5:
0x48: {  	_ = 	snop;
	(pc) =	sbr.rel .LBB1_7-.Ltmp5, $4  }
0x49: {  	s11 =	ssub.s32 s11, s14  }
0x4a: {  	s12 =	sadd.s32 s3, s12;
	s11 =	sshll.u32 s11, $0x4  }
0x4b: {  	s11 =	sadd.s32 s11, s12  }
0x4c: {  	[hbm4b:s11+s6] =	stream.strided.scatter [tilespmem:s13], [sflag:$0x2], $0x4000, s7, s6, $0x38;
	[tilespmem:$0x10000] =	vst v63  }
.LBB1_8:
0x4d: {  	_ =	sfence.sel $0x180000  }
0x4e: {  	s2 =	simm.s32 $0x1;
	[bflag:$0x0] =	sbarrier.arrive $0xFFFF  }
0x4f: {  	s31 =	simm.s32 $0x2;
	[sflag:s2] =	ssyncpa.u1 $0x1  }
0x50: {  	[sflag:s31] =	ssyncpa.u1 $0x1  }
0x51: {  	p0 =	sne.s32 s1, $0x0;
	_ =	strace $0x90000047  }
0x52: {  	s0 =	sadd.s32 @!p0 $0x100000, s0;
	[bflag:$0x2] =	sbarrier.arrive $0xFFFF  }
0x53: {  	[sflag:s0] =	ssyncadd.tile.s32 @!p0 $0x1;
	_ =	shalt  }
.Lfunc_end1:
_tile_overlayer_lowered:
.L_overlay_start_2:
0x54: {  	(tag) =	ssettag $0x2  }
0x55: {  	s0 =	rddreg [dreg:$0x0];
	s2 =	stileid.u32  }
0x56: {  	s1 =	rddreg [dreg:$0x1];
	p0 =	sne.s32 s2, $0x0  }
0x57: {  	s3 =	rddreg [dreg:$0x2];
	[bflag:$0x3] =	sbarrier.arrive $0xFFFF;
	s2 =	simm.s32 @!p0 $0x1C01  }
0x58: {  	[timem:s3], [sflag:s2] =	dma.local @!p0 [hbm:s0], s1  }
0x59: {  	s0 =	simm.s32 @!p0 $0x1  }
0x5a: {  	_ =	swait.ge @!p0 [sflag:s0], s1  }
0x5b: {  	s1 =	ssub.s32 @!p0 $0x0, s1;
	[sflag:s0] =	ssyncset.done @!p0 $0x0  }
0x5c: {  	[sflag:s0] =	ssyncadd.s32 @!p0 s1  }
0x5d: {  	[bflag:$0x3] =	sbarrier.arrive $0xFFFF  }
0x5e: {  	_ =	shalt  }

</sc_bundles>
